<compile_context>
chip_gen: v7x
topology: tpu7x:2x2x1
jax: 0.10.2.dev20260603
libtpu: 0.0.44.dev20260713+nightly
codegen_flags: <defaults>
</compile_context>

<pallas_src>
import functools

import jax
import jax.numpy as jnp
from jax import lax
from jax.experimental import pallas as pl
from jax.experimental.pallas import tpu as pltpu
from jax.experimental.pallas import tpu_sc as plsc

_NUM_CORES = 2
_NUM_SUBCORES = 16
_LANES = 16
_NW = _NUM_CORES * _NUM_SUBCORES

_OUT_CHUNK = 4096
_NBUF = 2


@functools.lru_cache(maxsize=None)
def _build(num_fields, vocab_rows, dim, batch):
    n_rows = num_fields * dim
    per_w = n_rows // _NW
    n_chunks = batch // _OUT_CHUNK
    mesh = plsc.VectorSubcoreMesh(core_axis_name="c", subcore_axis_name="s")

    @functools.partial(
        pl.kernel,
        out_type=jax.ShapeDtypeStruct((n_rows, batch), jnp.float32),
        mesh=mesh,
        compiler_params=pltpu.CompilerParams(
            use_tc_tiling_on_sc=True, needs_layout_passes=False
        ),
        scratch_types=[
            pltpu.MemorySpace.VMEM((vocab_rows,), jnp.float32),
            pltpu.MemorySpace.VMEM((batch,), jnp.int32),
            pltpu.MemorySpace.VMEM((_NBUF, _OUT_CHUNK), jnp.float32),
            pltpu.SemaphoreType.DMA,
        ],
    )
    def run(idx_hbm, tab_hbm, out_hbm, tab_v, idx_v, out_v, sem):
        wid = lax.axis_index("s") * _NUM_CORES + lax.axis_index("c")
        r0 = wid * per_w

        def task_body(i, prev_f):
            r = r0 + i
            f = r // dim

            @pl.when(f != prev_f)
            def _():
                pltpu.sync_copy(idx_hbm.at[f], idx_v)

            pltpu.sync_copy(tab_hbm.at[r], tab_v)

            for h in range(n_chunks):
                b = h % _NBUF
                base = h * _OUT_CHUNK

                def drain():
                    pltpu.make_async_copy(
                        out_v.at[0], out_hbm.at[r0, pl.ds(0, _OUT_CHUNK)], sem
                    ).wait()

                if h < _NBUF:
                    @pl.when(i > 0)
                    def _():
                        drain()
                else:
                    drain()

                def vec_body(j, base=base, b=b):
                    off = j * _LANES
                    iv = idx_v[pl.ds(base + off, _LANES)]
                    out_v[b, pl.ds(off, _LANES)] = plsc.load_gather(tab_v, [iv])

                plsc.parallel_loop(0, _OUT_CHUNK // _LANES, unroll=16)(vec_body)
                pltpu.async_copy(
                    out_v.at[b], out_hbm.at[r, pl.ds(base, _OUT_CHUNK)], sem
                )
            return f

        lax.fori_loop(0, per_w, task_body, -1)

        for _ in range(min(_NBUF, n_chunks)):
            pltpu.make_async_copy(
                out_v.at[0], out_hbm.at[r0, pl.ds(0, _OUT_CHUNK)], sem
            ).wait()

    return run


def kernel(inputs, tables):
    batch, num_fields = inputs.shape
    _, vocab_rows, dim = tables.shape
    idx_t = inputs.T.astype(jnp.int32)
    tab2 = jnp.transpose(tables, (0, 2, 1)).reshape(
        num_fields * dim, vocab_rows
    )
    out2 = _build(num_fields, vocab_rows, dim, batch)(idx_t, tab2)
    out3 = out2.reshape(num_fields, dim, batch)
    return jnp.transpose(out3, (2, 0, 1))

# --- scband reference (transcript-rebuilt; emitter-appended) ---
"""Pipeline reference for scband-saintembedding-43473658970335 (READ-ONLY COPY).

The authoritative reference and input builder live on the scoring server;
editing this copy changes nothing except your own understanding.
"""

import jax, jax.numpy as jnp
import numpy as np

NUM_FIELDS = 26
VOCAB = 100000
EMBED_DIM = 32
BATCH = 16384


def setup_inputs(seed: int = 0) -> dict:
    key = jax.random.key(seed)
    k_idx, k_tab = jax.random.split(key)
    inputs = jax.random.randint(k_idx, (BATCH, NUM_FIELDS), 0, VOCAB, dtype=jnp.int64 if jax.config.jax_enable_x64 else jnp.int32)
    # One embedding table per feature; Keras Embedding(input_dim=card+1) -> VOCAB+1 rows.
    tables = jax.random.normal(k_tab, (NUM_FIELDS, VOCAB + 1, EMBED_DIM), dtype=jnp.float32) * 0.05
    return {"inputs": inputs, "tables": tables}


def reference(inputs, tables):
    # Faithful translation of SAINTEmbedding.call with all-categorical features:
    # for each feature column, gather from its own embedding table, then
    # concatenate along the feature axis -> (batch, input_dim, embedding_dim).
    embeddings = []
    for idx in range(NUM_FIELDS):
        feature = inputs[:, idx]  # (batch,)
        feat_emb = jnp.take(tables[idx], feature, axis=0)  # (batch, embed_dim)
        embeddings.append(feat_emb[:, None, :])  # expand_dims axis=1
    return jnp.concatenate(embeddings, axis=1)  # (batch, num_fields, embed_dim)

if __name__ == "__main__":
    import jax
    _d = setup_inputs()
    print(jax.jit(kernel)(*tuple(_d.values())))

</pallas_src>

<mosaic_0001>
#map = affine_map<(d0, d1) -> (0, 0)>
module attributes {stable_mosaic.version = 14 : i64} {
  func.func @run(%arg0: i32, %arg1: i32, %arg2: memref<26x16384xi32, #tpu.memory_space<hbm>>, %arg3: memref<832x100001xf32, #tpu.memory_space<hbm>>, %arg4: memref<832x16384xf32, #tpu.memory_space<hbm>>, %arg5: memref<100001xf32, #tpu.memory_space<vmem>>, %arg6: memref<16384xi32, #tpu.memory_space<vmem>>, %arg7: memref<2x4096xf32, #tpu.memory_space<vmem>>, %arg8: memref<!tpu.dma_semaphore, #tpu.memory_space<semaphore_mem>>) attributes {dimension_semantics = [#tpu.dimension_semantics<core_parallel>, #tpu.dimension_semantics<subcore_parallel>], iteration_bounds = array<i64: 2, 16>, scalar_prefetch = 0 : i64, scratch_operands = 4 : i64, tpu.core_type = #tpu.core_type<sc_vector_subcore>, window_params = [{transform_indices = #map}, {transform_indices = #map}, {transform_indices = #map}]} {
    %mul3A = arith.constant 2 : i32
    %mul3A_0 = arith.muli %arg1, %mul3A : i32
    %add3A = arith.addi %mul3A_0, %arg0 : i32
    %mul3A_1 = arith.constant 26 : i32
    %mul3A_2 = arith.muli %add3A, %mul3A_1 : i32
    %scan3A = arith.constant -1 : i32
    %scan3A_3 = arith.constant 0 : i32
    %scan3A_4 = arith.constant 26 : i32
    %scan3A_5 = arith.addi %scan3A_3, %scan3A_4 : i32
    %scan3A_6 = arith.constant 1 : i32
    %scan3A_7 = scf.for %scan3A_34 = %scan3A_3 to %scan3A_5 step %scan3A_6 iter_args(%scan3A_35 = %scan3A) -> (i32)  : i32 {
      %add3A_36 = arith.addi %mul3A_2, %scan3A_34 : i32
      %jit3A = arith.constant 32 : i32
      %div3A = arith.divsi %add3A_36, %jit3A : i32
      %sign3A = arith.constant 0 : i32
      %sign3A_37 = arith.cmpi sgt, %add3A_36, %sign3A : i32
      %sign3A_38 = arith.extui %sign3A_37 : i1 to i32
      %sign3A_39 = arith.constant 0 : i32
      %sign3A_40 = arith.cmpi slt, %add3A_36, %sign3A_39 : i32
      %sign3A_41 = arith.extui %sign3A_40 : i1 to i32
      %sign3A_42 = arith.subi %sign3A_38, %sign3A_41 : i32
      %sign3A_43 = arith.constant 0 : i32
      %sign3A_44 = arith.cmpi sgt, %jit3A, %sign3A_43 : i32
      %sign3A_45 = arith.extui %sign3A_44 : i1 to i32
      %sign3A_46 = arith.constant 0 : i32
      %sign3A_47 = arith.cmpi slt, %jit3A, %sign3A_46 : i32
      %sign3A_48 = arith.extui %sign3A_47 : i1 to i32
      %sign3A_49 = arith.subi %sign3A_45, %sign3A_48 : i32
      %ne3A = arith.cmpi ne, %sign3A_42, %sign3A_49 : i32
      %rem3A = arith.remsi %add3A_36, %jit3A : i32
      %ne3A_50 = arith.constant 0 : i32
      %ne3A_51 = arith.cmpi ne, %rem3A, %ne3A_50 : i32
      %and3A = arith.andi %ne3A, %ne3A_51 : i1
      %sub3A = arith.constant 1 : i32
      %sub3A_52 = arith.subi %div3A, %sub3A : i32
      %select_n3A = arith.select %and3A, %sub3A_52, %div3A : i32
      %ne3A_53 = arith.cmpi ne, %select_n3A, %scan3A_35 : i32
      %convert_element_type3A = arith.extui %ne3A_53 : i1 to i32
      %cond3A = arith.constant 0 : i32
      %cond3A_54 = arith.cmpi ne, %convert_element_type3A, %cond3A : i32
      scf.if %cond3A_54 {
        "tpu.region"() ({
          %run_scoped3A = tpu.sem_alloc : memref<!tpu.dma_semaphore, #tpu.memory_space<semaphore_mem>>
          %dma_start3A_152 = arith.constant 0 : i32
          %dma_start3A_153 = tpu.memref_slice %arg2[%select_n3A, %dma_start3A_152] : memref<26x16384xi32, #tpu.memory_space<hbm>> -> memref<1x16384xi32, #tpu.memory_space<hbm>>
          %dma_start3A_154 = tpu.memref_squeeze %dma_start3A_153 : memref<1x16384xi32, #tpu.memory_space<hbm>> -> memref<16384xi32, #tpu.memory_space<hbm>>
          %dma_start3A_155 = arith.constant 0 : i32
          %dma_start3A_156 = tpu.memref_slice %arg2[%select_n3A, %dma_start3A_155] : memref<26x16384xi32, #tpu.memory_space<hbm>> -> memref<1x16384xi32, #tpu.memory_space<hbm>>
          %dma_start3A_157 = tpu.memref_squeeze %dma_start3A_156 : memref<1x16384xi32, #tpu.memory_space<hbm>> -> memref<16384xi32, #tpu.memory_space<hbm>>
          tpu.enqueue_dma source(%dma_start3A_157 : memref<16384xi32, #tpu.memory_space<hbm>>) target(%arg6 : memref<16384xi32, #tpu.memory_space<vmem>>) target_semaphore(%run_scoped3A : memref<!tpu.dma_semaphore, #tpu.memory_space<semaphore_mem>>)
          %dma_wait3A_158 = arith.constant 0 : i32
          %dma_wait3A_159 = tpu.memref_slice %arg2[%select_n3A, %dma_wait3A_158] : memref<26x16384xi32, #tpu.memory_space<hbm>> -> memref<1x16384xi32, #tpu.memory_space<hbm>>
          %dma_wait3A_160 = tpu.memref_squeeze %dma_wait3A_159 : memref<1x16384xi32, #tpu.memory_space<hbm>> -> memref<16384xi32, #tpu.memory_space<hbm>>
          %dma_wait3A_161 = arith.constant 0 : i32
          %dma_wait3A_162 = tpu.memref_slice %arg2[%select_n3A, %dma_wait3A_161] : memref<26x16384xi32, #tpu.memory_space<hbm>> -> memref<1x16384xi32, #tpu.memory_space<hbm>>
          %dma_wait3A_163 = tpu.memref_squeeze %dma_wait3A_162 : memref<1x16384xi32, #tpu.memory_space<hbm>> -> memref<16384xi32, #tpu.memory_space<hbm>>
          tpu.wait_dma2 semaphore(%run_scoped3A : memref<!tpu.dma_semaphore, #tpu.memory_space<semaphore_mem>>) src(%dma_wait3A_163 : memref<16384xi32, #tpu.memory_space<hbm>>) dst(%arg6 : memref<16384xi32, #tpu.memory_space<vmem>>)
          tpu.yield
        }) : () -> ()
      } else {
      }
      "tpu.region"() ({
        %run_scoped3A = tpu.sem_alloc : memref<!tpu.dma_semaphore, #tpu.memory_space<semaphore_mem>>
        %dma_start3A_152 = arith.constant 0 : i32
        %dma_start3A_153 = tpu.memref_slice %arg3[%add3A_36, %dma_start3A_152] : memref<832x100001xf32, #tpu.memory_space<hbm>> -> memref<1x100001xf32, #tpu.memory_space<hbm>>
        %dma_start3A_154 = tpu.memref_squeeze %dma_start3A_153 : memref<1x100001xf32, #tpu.memory_space<hbm>> -> memref<100001xf32, #tpu.memory_space<hbm>>
        %dma_start3A_155 = arith.constant 0 : i32
        %dma_start3A_156 = tpu.memref_slice %arg3[%add3A_36, %dma_start3A_155] : memref<832x100001xf32, #tpu.memory_space<hbm>> -> memref<1x100001xf32, #tpu.memory_space<hbm>>
        %dma_start3A_157 = tpu.memref_squeeze %dma_start3A_156 : memref<1x100001xf32, #tpu.memory_space<hbm>> -> memref<100001xf32, #tpu.memory_space<hbm>>
        tpu.enqueue_dma source(%dma_start3A_157 : memref<100001xf32, #tpu.memory_space<hbm>>) target(%arg5 : memref<100001xf32, #tpu.memory_space<vmem>>) target_semaphore(%run_scoped3A : memref<!tpu.dma_semaphore, #tpu.memory_space<semaphore_mem>>)
        %dma_wait3A_158 = arith.constant 0 : i32
        %dma_wait3A_159 = tpu.memref_slice %arg3[%add3A_36, %dma_wait3A_158] : memref<832x100001xf32, #tpu.memory_space<hbm>> -> memref<1x100001xf32, #tpu.memory_space<hbm>>
        %dma_wait3A_160 = tpu.memref_squeeze %dma_wait3A_159 : memref<1x100001xf32, #tpu.memory_space<hbm>> -> memref<100001xf32, #tpu.memory_space<hbm>>
        %dma_wait3A_161 = arith.constant 0 : i32
        %dma_wait3A_162 = tpu.memref_slice %arg3[%add3A_36, %dma_wait3A_161] : memref<832x100001xf32, #tpu.memory_space<hbm>> -> memref<1x100001xf32, #tpu.memory_space<hbm>>
        %dma_wait3A_163 = tpu.memref_squeeze %dma_wait3A_162 : memref<1x100001xf32, #tpu.memory_space<hbm>> -> memref<100001xf32, #tpu.memory_space<hbm>>
        tpu.wait_dma2 semaphore(%run_scoped3A : memref<!tpu.dma_semaphore, #tpu.memory_space<semaphore_mem>>) src(%dma_wait3A_163 : memref<100001xf32, #tpu.memory_space<hbm>>) dst(%arg5 : memref<100001xf32, #tpu.memory_space<vmem>>)
        tpu.yield
      }) : () -> ()
      %gt3A = arith.constant 0 : i32
      %gt3A_55 = arith.cmpi sgt, %scan3A_34, %gt3A : i32
      %convert_element_type3A_56 = arith.extui %gt3A_55 : i1 to i32
      %cond3A_57 = arith.constant 0 : i32
      %cond3A_58 = arith.cmpi ne, %convert_element_type3A_56, %cond3A_57 : i32
      scf.if %cond3A_58 {
        %dma_wait3A_152 = arith.constant 0 : i32
        %dma_wait3A_153 = arith.constant 0 : i32
        %dma_wait3A_154 = tpu.memref_slice %arg7[%dma_wait3A_152, %dma_wait3A_153] : memref<2x4096xf32, #tpu.memory_space<vmem>> -> memref<1x4096xf32, #tpu.memory_space<vmem>>
        %dma_wait3A_155 = tpu.memref_squeeze %dma_wait3A_154 : memref<1x4096xf32, #tpu.memory_space<vmem>> -> memref<4096xf32, #tpu.memory_space<vmem>>
        %dma_wait3A_156 = arith.constant 0 : i32
        %dma_wait3A_157 = tpu.memref_slice %arg4[%mul3A_2, %dma_wait3A_156] : memref<832x16384xf32, #tpu.memory_space<hbm>> -> memref<1x4096xf32, #tpu.memory_space<hbm>>
        %dma_wait3A_158 = tpu.memref_squeeze %dma_wait3A_157 : memref<1x4096xf32, #tpu.memory_space<hbm>> -> memref<4096xf32, #tpu.memory_space<hbm>>
        %dma_wait3A_159 = arith.constant 0 : i32
        %dma_wait3A_160 = tpu.memref_slice %arg4[%mul3A_2, %dma_wait3A_159] : memref<832x16384xf32, #tpu.memory_space<hbm>> -> memref<1x4096xf32, #tpu.memory_space<hbm>>
        %dma_wait3A_161 = tpu.memref_squeeze %dma_wait3A_160 : memref<1x4096xf32, #tpu.memory_space<hbm>> -> memref<4096xf32, #tpu.memory_space<hbm>>
        %dma_wait3A_162 = arith.constant 0 : i32
        %dma_wait3A_163 = tpu.memref_slice %arg7[%dma_wait3A_152, %dma_wait3A_162] : memref<2x4096xf32, #tpu.memory_space<vmem>> -> memref<1x4096xf32, #tpu.memory_space<vmem>>
        %dma_wait3A_164 = tpu.memref_squeeze %dma_wait3A_163 : memref<1x4096xf32, #tpu.memory_space<vmem>> -> memref<4096xf32, #tpu.memory_space<vmem>>
        tpu.wait_dma2 semaphore(%arg8 : memref<!tpu.dma_semaphore, #tpu.memory_space<semaphore_mem>>) src(%dma_wait3A_164 : memref<4096xf32, #tpu.memory_space<vmem>>) dst(%dma_wait3A_161 : memref<4096xf32, #tpu.memory_space<hbm>>)
      } else {
      }
      %parallel_loop3A = arith.constant 0 : i32
      %parallel_loop3A_59 = arith.constant 256 : i32
      %parallel_loop3A_60 = arith.constant 1 : i32
      scf.for %parallel_loop3A_152 = %parallel_loop3A to %parallel_loop3A_59 step %parallel_loop3A_60  : i32 {
        %parallel_loop3A_153 = arith.constant 16 : i32
        %parallel_loop3A_154 = arith.muli %parallel_loop3A_152, %parallel_loop3A_153 : i32
        %parallel_loop3A_155 = arith.constant 0 : i32
        %parallel_loop3A_156 = arith.addi %parallel_loop3A_155, %parallel_loop3A_154 : i32
        %parallel_loop3A_157 = arith.index_cast %parallel_loop3A_156 : i32 to index
        %parallel_loop3A_158 = tpu.vector_load %arg6[%parallel_loop3A_157] {strides = array<i32>} : memref<16384xi32, #tpu.memory_space<vmem>>, vector<16xi32>,
        %parallel_loop3A_159 = tpu.vector_load_idx %arg5[%parallel_loop3A_158] : memref<100001xf32, #tpu.memory_space<vmem>>[vector<16xi32>], vector<16xf32>,
        %parallel_loop3A_160 = arith.constant 0 : i32
        %parallel_loop3A_161 = arith.index_cast %parallel_loop3A_160 : i32 to index
        %parallel_loop3A_162 = arith.index_cast %parallel_loop3A_154 : i32 to index
        %parallel_loop3A_163 = tpu.vector_load %arg7[%parallel_loop3A_161, %parallel_loop3A_162] {strides = array<i32>} : memref<2x4096xf32, #tpu.memory_space<vmem>>, vector<16xf32>,
        tpu.vector_store %arg7[%parallel_loop3A_161, %parallel_loop3A_162], %parallel_loop3A_159 {strides = array<i32>} : memref<2x4096xf32, #tpu.memory_space<vmem>>, vector<16xf32>,
      } {sc.loop_unroll_factor = 16 : i64, sc.parallel_access}
      %dma_start3A = arith.constant 0 : i32
      %dma_start3A_61 = arith.constant 0 : i32
      %dma_start3A_62 = tpu.memref_slice %arg7[%dma_start3A, %dma_start3A_61] : memref<2x4096xf32, #tpu.memory_space<vmem>> -> memref<1x4096xf32, #tpu.memory_space<vmem>>
      %dma_start3A_63 = tpu.memref_squeeze %dma_start3A_62 : memref<1x4096xf32, #tpu.memory_space<vmem>> -> memref<4096xf32, #tpu.memory_space<vmem>>
      %dma_start3A_64 = arith.constant 0 : i32
      %dma_start3A_65 = tpu.memref_slice %arg4[%add3A_36, %dma_start3A_64] : memref<832x16384xf32, #tpu.memory_space<hbm>> -> memref<1x4096xf32, #tpu.memory_space<hbm>>
      %dma_start3A_66 = tpu.memref_squeeze %dma_start3A_65 : memref<1x4096xf32, #tpu.memory_space<hbm>> -> memref<4096xf32, #tpu.memory_space<hbm>>
      %dma_start3A_67 = arith.constant 0 : i32
      %dma_start3A_68 = tpu.memref_slice %arg4[%add3A_36, %dma_start3A_67] : memref<832x16384xf32, #tpu.memory_space<hbm>> -> memref<1x4096xf32, #tpu.memory_space<hbm>>
      %dma_start3A_69 = tpu.memref_squeeze %dma_start3A_68 : memref<1x4096xf32, #tpu.memory_space<hbm>> -> memref<4096xf32, #tpu.memory_space<hbm>>
      %dma_start3A_70 = arith.constant 0 : i32
      %dma_start3A_71 = tpu.memref_slice %arg7[%dma_start3A, %dma_start3A_70] : memref<2x4096xf32, #tpu.memory_space<vmem>> -> memref<1x4096xf32, #tpu.memory_space<vmem>>
      %dma_start3A_72 = tpu.memref_squeeze %dma_start3A_71 : memref<1x4096xf32, #tpu.memory_space<vmem>> -> memref<4096xf32, #tpu.memory_space<vmem>>
      tpu.enqueue_dma source(%dma_start3A_72 : memref<4096xf32, #tpu.memory_space<vmem>>) target(%dma_start3A_69 : memref<4096xf32, #tpu.memory_space<hbm>>) target_semaphore(%arg8 : memref<!tpu.dma_semaphore, #tpu.memory_space<semaphore_mem>>)
      %gt3A_73 = arith.constant 0 : i32
      %gt3A_74 = arith.cmpi sgt, %scan3A_34, %gt3A_73 : i32
      %convert_element_type3A_75 = arith.extui %gt3A_74 : i1 to i32
      %cond3A_76 = arith.constant 0 : i32
      %cond3A_77 = arith.cmpi ne, %convert_element_type3A_75, %cond3A_76 : i32
      scf.if %cond3A_77 {
        %dma_wait3A_152 = arith.constant 0 : i32
        %dma_wait3A_153 = arith.constant 0 : i32
        %dma_wait3A_154 = tpu.memref_slice %arg7[%dma_wait3A_152, %dma_wait3A_153] : memref<2x4096xf32, #tpu.memory_space<vmem>> -> memref<1x4096xf32, #tpu.memory_space<vmem>>
        %dma_wait3A_155 = tpu.memref_squeeze %dma_wait3A_154 : memref<1x4096xf32, #tpu.memory_space<vmem>> -> memref<4096xf32, #tpu.memory_space<vmem>>
        %dma_wait3A_156 = arith.constant 0 : i32
        %dma_wait3A_157 = tpu.memref_slice %arg4[%mul3A_2, %dma_wait3A_156] : memref<832x16384xf32, #tpu.memory_space<hbm>> -> memref<1x4096xf32, #tpu.memory_space<hbm>>
        %dma_wait3A_158 = tpu.memref_squeeze %dma_wait3A_157 : memref<1x4096xf32, #tpu.memory_space<hbm>> -> memref<4096xf32, #tpu.memory_space<hbm>>
        %dma_wait3A_159 = arith.constant 0 : i32
        %dma_wait3A_160 = tpu.memref_slice %arg4[%mul3A_2, %dma_wait3A_159] : memref<832x16384xf32, #tpu.memory_space<hbm>> -> memref<1x4096xf32, #tpu.memory_space<hbm>>
        %dma_wait3A_161 = tpu.memref_squeeze %dma_wait3A_160 : memref<1x4096xf32, #tpu.memory_space<hbm>> -> memref<4096xf32, #tpu.memory_space<hbm>>
        %dma_wait3A_162 = arith.constant 0 : i32
        %dma_wait3A_163 = tpu.memref_slice %arg7[%dma_wait3A_152, %dma_wait3A_162] : memref<2x4096xf32, #tpu.memory_space<vmem>> -> memref<1x4096xf32, #tpu.memory_space<vmem>>
        %dma_wait3A_164 = tpu.memref_squeeze %dma_wait3A_163 : memref<1x4096xf32, #tpu.memory_space<vmem>> -> memref<4096xf32, #tpu.memory_space<vmem>>
        tpu.wait_dma2 semaphore(%arg8 : memref<!tpu.dma_semaphore, #tpu.memory_space<semaphore_mem>>) src(%dma_wait3A_164 : memref<4096xf32, #tpu.memory_space<vmem>>) dst(%dma_wait3A_161 : memref<4096xf32, #tpu.memory_space<hbm>>)
      } else {
      }
      %parallel_loop3A_78 = arith.constant 0 : i32
      %parallel_loop3A_79 = arith.constant 256 : i32
      %parallel_loop3A_80 = arith.constant 1 : i32
      scf.for %parallel_loop3A_152 = %parallel_loop3A_78 to %parallel_loop3A_79 step %parallel_loop3A_80  : i32 {
        %parallel_loop3A_153 = arith.constant 16 : i32
        %parallel_loop3A_154 = arith.muli %parallel_loop3A_152, %parallel_loop3A_153 : i32
        %parallel_loop3A_155 = arith.constant 4096 : i32
        %parallel_loop3A_156 = arith.addi %parallel_loop3A_155, %parallel_loop3A_154 : i32
        %parallel_loop3A_157 = arith.index_cast %parallel_loop3A_156 : i32 to index
        %parallel_loop3A_158 = tpu.vector_load %arg6[%parallel_loop3A_157] {strides = array<i32>} : memref<16384xi32, #tpu.memory_space<vmem>>, vector<16xi32>,
        %parallel_loop3A_159 = tpu.vector_load_idx %arg5[%parallel_loop3A_158] : memref<100001xf32, #tpu.memory_space<vmem>>[vector<16xi32>], vector<16xf32>,
        %parallel_loop3A_160 = arith.constant 1 : i32
        %parallel_loop3A_161 = arith.index_cast %parallel_loop3A_160 : i32 to index
        %parallel_loop3A_162 = arith.index_cast %parallel_loop3A_154 : i32 to index
        %parallel_loop3A_163 = tpu.vector_load %arg7[%parallel_loop3A_161, %parallel_loop3A_162] {strides = array<i32>} : memref<2x4096xf32, #tpu.memory_space<vmem>>, vector<16xf32>,
        tpu.vector_store %arg7[%parallel_loop3A_161, %parallel_loop3A_162], %parallel_loop3A_159 {strides = array<i32>} : memref<2x4096xf32, #tpu.memory_space<vmem>>, vector<16xf32>,
      } {sc.loop_unroll_factor = 16 : i64, sc.parallel_access}
      %dma_start3A_81 = arith.constant 1 : i32
      %dma_start3A_82 = arith.constant 0 : i32
      %dma_start3A_83 = tpu.memref_slice %arg7[%dma_start3A_81, %dma_start3A_82] : memref<2x4096xf32, #tpu.memory_space<vmem>> -> memref<1x4096xf32, #tpu.memory_space<vmem>>
      %dma_start3A_84 = tpu.memref_squeeze %dma_start3A_83 : memref<1x4096xf32, #tpu.memory_space<vmem>> -> memref<4096xf32, #tpu.memory_space<vmem>>
      %dma_start3A_85 = arith.constant 4096 : i32
      %dma_start3A_86 = tpu.memref_slice %arg4[%add3A_36, %dma_start3A_85] : memref<832x16384xf32, #tpu.memory_space<hbm>> -> memref<1x4096xf32, #tpu.memory_space<hbm>>
      %dma_start3A_87 = tpu.memref_squeeze %dma_start3A_86 : memref<1x4096xf32, #tpu.memory_space<hbm>> -> memref<4096xf32, #tpu.memory_space<hbm>>
      %dma_start3A_88 = arith.constant 4096 : i32
      %dma_start3A_89 = tpu.memref_slice %arg4[%add3A_36, %dma_start3A_88] : memref<832x16384xf32, #tpu.memory_space<hbm>> -> memref<1x4096xf32, #tpu.memory_space<hbm>>
      %dma_start3A_90 = tpu.memref_squeeze %dma_start3A_89 : memref<1x4096xf32, #tpu.memory_space<hbm>> -> memref<4096xf32, #tpu.memory_space<hbm>>
      %dma_start3A_91 = arith.constant 0 : i32
      %dma_start3A_92 = tpu.memref_slice %arg7[%dma_start3A_81, %dma_start3A_91] : memref<2x4096xf32, #tpu.memory_space<vmem>> -> memref<1x4096xf32, #tpu.memory_space<vmem>>
      %dma_start3A_93 = tpu.memref_squeeze %dma_start3A_92 : memref<1x4096xf32, #tpu.memory_space<vmem>> -> memref<4096xf32, #tpu.memory_space<vmem>>
      tpu.enqueue_dma source(%dma_start3A_93 : memref<4096xf32, #tpu.memory_space<vmem>>) target(%dma_start3A_90 : memref<4096xf32, #tpu.memory_space<hbm>>) target_semaphore(%arg8 : memref<!tpu.dma_semaphore, #tpu.memory_space<semaphore_mem>>)
      %dma_wait3A_94 = arith.constant 0 : i32
      %dma_wait3A_95 = arith.constant 0 : i32
      %dma_wait3A_96 = tpu.memref_slice %arg7[%dma_wait3A_94, %dma_wait3A_95] : memref<2x4096xf32, #tpu.memory_space<vmem>> -> memref<1x4096xf32, #tpu.memory_space<vmem>>
      %dma_wait3A_97 = tpu.memref_squeeze %dma_wait3A_96 : memref<1x4096xf32, #tpu.memory_space<vmem>> -> memref<4096xf32, #tpu.memory_space<vmem>>
      %dma_wait3A_98 = arith.constant 0 : i32
      %dma_wait3A_99 = tpu.memref_slice %arg4[%mul3A_2, %dma_wait3A_98] : memref<832x16384xf32, #tpu.memory_space<hbm>> -> memref<1x4096xf32, #tpu.memory_space<hbm>>
      %dma_wait3A_100 = tpu.memref_squeeze %dma_wait3A_99 : memref<1x4096xf32, #tpu.memory_space<hbm>> -> memref<4096xf32, #tpu.memory_space<hbm>>
      %dma_wait3A_101 = arith.constant 0 : i32
      %dma_wait3A_102 = tpu.memref_slice %arg4[%mul3A_2, %dma_wait3A_101] : memref<832x16384xf32, #tpu.memory_space<hbm>> -> memref<1x4096xf32, #tpu.memory_space<hbm>>
      %dma_wait3A_103 = tpu.memref_squeeze %dma_wait3A_102 : memref<1x4096xf32, #tpu.memory_space<hbm>> -> memref<4096xf32, #tpu.memory_space<hbm>>
      %dma_wait3A_104 = arith.constant 0 : i32
      %dma_wait3A_105 = tpu.memref_slice %arg7[%dma_wait3A_94, %dma_wait3A_104] : memref<2x4096xf32, #tpu.memory_space<vmem>> -> memref<1x4096xf32, #tpu.memory_space<vmem>>
      %dma_wait3A_106 = tpu.memref_squeeze %dma_wait3A_105 : memref<1x4096xf32, #tpu.memory_space<vmem>> -> memref<4096xf32, #tpu.memory_space<vmem>>
      tpu.wait_dma2 semaphore(%arg8 : memref<!tpu.dma_semaphore, #tpu.memory_space<semaphore_mem>>) src(%dma_wait3A_106 : memref<4096xf32, #tpu.memory_space<vmem>>) dst(%dma_wait3A_103 : memref<4096xf32, #tpu.memory_space<hbm>>)
      %parallel_loop3A_107 = arith.constant 0 : i32
      %parallel_loop3A_108 = arith.constant 256 : i32
      %parallel_loop3A_109 = arith.constant 1 : i32
      scf.for %parallel_loop3A_152 = %parallel_loop3A_107 to %parallel_loop3A_108 step %parallel_loop3A_109  : i32 {
        %parallel_loop3A_153 = arith.constant 16 : i32
        %parallel_loop3A_154 = arith.muli %parallel_loop3A_152, %parallel_loop3A_153 : i32
        %parallel_loop3A_155 = arith.constant 8192 : i32
        %parallel_loop3A_156 = arith.addi %parallel_loop3A_155, %parallel_loop3A_154 : i32
        %parallel_loop3A_157 = arith.index_cast %parallel_loop3A_156 : i32 to index
        %parallel_loop3A_158 = tpu.vector_load %arg6[%parallel_loop3A_157] {strides = array<i32>} : memref<16384xi32, #tpu.memory_space<vmem>>, vector<16xi32>,
        %parallel_loop3A_159 = tpu.vector_load_idx %arg5[%parallel_loop3A_158] : memref<100001xf32, #tpu.memory_space<vmem>>[vector<16xi32>], vector<16xf32>,
        %parallel_loop3A_160 = arith.constant 0 : i32
        %parallel_loop3A_161 = arith.index_cast %parallel_loop3A_160 : i32 to index
        %parallel_loop3A_162 = arith.index_cast %parallel_loop3A_154 : i32 to index
        %parallel_loop3A_163 = tpu.vector_load %arg7[%parallel_loop3A_161, %parallel_loop3A_162] {strides = array<i32>} : memref<2x4096xf32, #tpu.memory_space<vmem>>, vector<16xf32>,
        tpu.vector_store %arg7[%parallel_loop3A_161, %parallel_loop3A_162], %parallel_loop3A_159 {strides = array<i32>} : memref<2x4096xf32, #tpu.memory_space<vmem>>, vector<16xf32>,
      } {sc.loop_unroll_factor = 16 : i64, sc.parallel_access}
      %dma_start3A_110 = arith.constant 0 : i32
      %dma_start3A_111 = arith.constant 0 : i32
      %dma_start3A_112 = tpu.memref_slice %arg7[%dma_start3A_110, %dma_start3A_111] : memref<2x4096xf32, #tpu.memory_space<vmem>> -> memref<1x4096xf32, #tpu.memory_space<vmem>>
      %dma_start3A_113 = tpu.memref_squeeze %dma_start3A_112 : memref<1x4096xf32, #tpu.memory_space<vmem>> -> memref<4096xf32, #tpu.memory_space<vmem>>
      %dma_start3A_114 = arith.constant 8192 : i32
      %dma_start3A_115 = tpu.memref_slice %arg4[%add3A_36, %dma_start3A_114] : memref<832x16384xf32, #tpu.memory_space<hbm>> -> memref<1x4096xf32, #tpu.memory_space<hbm>>
      %dma_start3A_116 = tpu.memref_squeeze %dma_start3A_115 : memref<1x4096xf32, #tpu.memory_space<hbm>> -> memref<4096xf32, #tpu.memory_space<hbm>>
      %dma_start3A_117 = arith.constant 8192 : i32
      %dma_start3A_118 = tpu.memref_slice %arg4[%add3A_36, %dma_start3A_117] : memref<832x16384xf32, #tpu.memory_space<hbm>> -> memref<1x4096xf32, #tpu.memory_space<hbm>>
      %dma_start3A_119 = tpu.memref_squeeze %dma_start3A_118 : memref<1x4096xf32, #tpu.memory_space<hbm>> -> memref<4096xf32, #tpu.memory_space<hbm>>
      %dma_start3A_120 = arith.constant 0 : i32
      %dma_start3A_121 = tpu.memref_slice %arg7[%dma_start3A_110, %dma_start3A_120] : memref<2x4096xf32, #tpu.memory_space<vmem>> -> memref<1x4096xf32, #tpu.memory_space<vmem>>
      %dma_start3A_122 = tpu.memref_squeeze %dma_start3A_121 : memref<1x4096xf32, #tpu.memory_space<vmem>> -> memref<4096xf32, #tpu.memory_space<vmem>>
      tpu.enqueue_dma source(%dma_start3A_122 : memref<4096xf32, #tpu.memory_space<vmem>>) target(%dma_start3A_119 : memref<4096xf32, #tpu.memory_space<hbm>>) target_semaphore(%arg8 : memref<!tpu.dma_semaphore, #tpu.memory_space<semaphore_mem>>)
      %dma_wait3A_123 = arith.constant 0 : i32
      %dma_wait3A_124 = arith.constant 0 : i32
      %dma_wait3A_125 = tpu.memref_slice %arg7[%dma_wait3A_123, %dma_wait3A_124] : memref<2x4096xf32, #tpu.memory_space<vmem>> -> memref<1x4096xf32, #tpu.memory_space<vmem>>
      %dma_wait3A_126 = tpu.memref_squeeze %dma_wait3A_125 : memref<1x4096xf32, #tpu.memory_space<vmem>> -> memref<4096xf32, #tpu.memory_space<vmem>>
      %dma_wait3A_127 = arith.constant 0 : i32
      %dma_wait3A_128 = tpu.memref_slice %arg4[%mul3A_2, %dma_wait3A_127] : memref<832x16384xf32, #tpu.memory_space<hbm>> -> memref<1x4096xf32, #tpu.memory_space<hbm>>
      %dma_wait3A_129 = tpu.memref_squeeze %dma_wait3A_128 : memref<1x4096xf32, #tpu.memory_space<hbm>> -> memref<4096xf32, #tpu.memory_space<hbm>>
      %dma_wait3A_130 = arith.constant 0 : i32
      %dma_wait3A_131 = tpu.memref_slice %arg4[%mul3A_2, %dma_wait3A_130] : memref<832x16384xf32, #tpu.memory_space<hbm>> -> memref<1x4096xf32, #tpu.memory_space<hbm>>
      %dma_wait3A_132 = tpu.memref_squeeze %dma_wait3A_131 : memref<1x4096xf32, #tpu.memory_space<hbm>> -> memref<4096xf32, #tpu.memory_space<hbm>>
      %dma_wait3A_133 = arith.constant 0 : i32
      %dma_wait3A_134 = tpu.memref_slice %arg7[%dma_wait3A_123, %dma_wait3A_133] : memref<2x4096xf32, #tpu.memory_space<vmem>> -> memref<1x4096xf32, #tpu.memory_space<vmem>>
      %dma_wait3A_135 = tpu.memref_squeeze %dma_wait3A_134 : memref<1x4096xf32, #tpu.memory_space<vmem>> -> memref<4096xf32, #tpu.memory_space<vmem>>
      tpu.wait_dma2 semaphore(%arg8 : memref<!tpu.dma_semaphore, #tpu.memory_space<semaphore_mem>>) src(%dma_wait3A_135 : memref<4096xf32, #tpu.memory_space<vmem>>) dst(%dma_wait3A_132 : memref<4096xf32, #tpu.memory_space<hbm>>)
      %parallel_loop3A_136 = arith.constant 0 : i32
      %parallel_loop3A_137 = arith.constant 256 : i32
      %parallel_loop3A_138 = arith.constant 1 : i32
      scf.for %parallel_loop3A_152 = %parallel_loop3A_136 to %parallel_loop3A_137 step %parallel_loop3A_138  : i32 {
        %parallel_loop3A_153 = arith.constant 16 : i32
        %parallel_loop3A_154 = arith.muli %parallel_loop3A_152, %parallel_loop3A_153 : i32
        %parallel_loop3A_155 = arith.constant 12288 : i32
        %parallel_loop3A_156 = arith.addi %parallel_loop3A_155, %parallel_loop3A_154 : i32
        %parallel_loop3A_157 = arith.index_cast %parallel_loop3A_156 : i32 to index
        %parallel_loop3A_158 = tpu.vector_load %arg6[%parallel_loop3A_157] {strides = array<i32>} : memref<16384xi32, #tpu.memory_space<vmem>>, vector<16xi32>,
        %parallel_loop3A_159 = tpu.vector_load_idx %arg5[%parallel_loop3A_158] : memref<100001xf32, #tpu.memory_space<vmem>>[vector<16xi32>], vector<16xf32>,
        %parallel_loop3A_160 = arith.constant 1 : i32
        %parallel_loop3A_161 = arith.index_cast %parallel_loop3A_160 : i32 to index
        %parallel_loop3A_162 = arith.index_cast %parallel_loop3A_154 : i32 to index
        %parallel_loop3A_163 = tpu.vector_load %arg7[%parallel_loop3A_161, %parallel_loop3A_162] {strides = array<i32>} : memref<2x4096xf32, #tpu.memory_space<vmem>>, vector<16xf32>,
        tpu.vector_store %arg7[%parallel_loop3A_161, %parallel_loop3A_162], %parallel_loop3A_159 {strides = array<i32>} : memref<2x4096xf32, #tpu.memory_space<vmem>>, vector<16xf32>,
      } {sc.loop_unroll_factor = 16 : i64, sc.parallel_access}
      %dma_start3A_139 = arith.constant 1 : i32
      %dma_start3A_140 = arith.constant 0 : i32
      %dma_start3A_141 = tpu.memref_slice %arg7[%dma_start3A_139, %dma_start3A_140] : memref<2x4096xf32, #tpu.memory_space<vmem>> -> memref<1x4096xf32, #tpu.memory_space<vmem>>
      %dma_start3A_142 = tpu.memref_squeeze %dma_start3A_141 : memref<1x4096xf32, #tpu.memory_space<vmem>> -> memref<4096xf32, #tpu.memory_space<vmem>>
      %dma_start3A_143 = arith.constant 12288 : i32
      %dma_start3A_144 = tpu.memref_slice %arg4[%add3A_36, %dma_start3A_143] : memref<832x16384xf32, #tpu.memory_space<hbm>> -> memref<1x4096xf32, #tpu.memory_space<hbm>>
      %dma_start3A_145 = tpu.memref_squeeze %dma_start3A_144 : memref<1x4096xf32, #tpu.memory_space<hbm>> -> memref<4096xf32, #tpu.memory_space<hbm>>
      %dma_start3A_146 = arith.constant 12288 : i32
      %dma_start3A_147 = tpu.memref_slice %arg4[%add3A_36, %dma_start3A_146] : memref<832x16384xf32, #tpu.memory_space<hbm>> -> memref<1x4096xf32, #tpu.memory_space<hbm>>
      %dma_start3A_148 = tpu.memref_squeeze %dma_start3A_147 : memref<1x4096xf32, #tpu.memory_space<hbm>> -> memref<4096xf32, #tpu.memory_space<hbm>>
      %dma_start3A_149 = arith.constant 0 : i32
      %dma_start3A_150 = tpu.memref_slice %arg7[%dma_start3A_139, %dma_start3A_149] : memref<2x4096xf32, #tpu.memory_space<vmem>> -> memref<1x4096xf32, #tpu.memory_space<vmem>>
      %dma_start3A_151 = tpu.memref_squeeze %dma_start3A_150 : memref<1x4096xf32, #tpu.memory_space<vmem>> -> memref<4096xf32, #tpu.memory_space<vmem>>
      tpu.enqueue_dma source(%dma_start3A_151 : memref<4096xf32, #tpu.memory_space<vmem>>) target(%dma_start3A_148 : memref<4096xf32, #tpu.memory_space<hbm>>) target_semaphore(%arg8 : memref<!tpu.dma_semaphore, #tpu.memory_space<semaphore_mem>>)
      scf.yield %select_n3A : i32
    }
    %scan3A_8 = arith.constant 26 : i32
    %dma_wait3A = arith.constant 0 : i32
    %dma_wait3A_9 = arith.constant 0 : i32
    %dma_wait3A_10 = tpu.memref_slice %arg7[%dma_wait3A, %dma_wait3A_9] : memref<2x4096xf32, #tpu.memory_space<vmem>> -> memref<1x4096xf32, #tpu.memory_space<vmem>>
    %dma_wait3A_11 = tpu.memref_squeeze %dma_wait3A_10 : memref<1x4096xf32, #tpu.memory_space<vmem>> -> memref<4096xf32, #tpu.memory_space<vmem>>
    %dma_wait3A_12 = arith.constant 0 : i32
    %dma_wait3A_13 = tpu.memref_slice %arg4[%mul3A_2, %dma_wait3A_12] : memref<832x16384xf32, #tpu.memory_space<hbm>> -> memref<1x4096xf32, #tpu.memory_space<hbm>>
    %dma_wait3A_14 = tpu.memref_squeeze %dma_wait3A_13 : memref<1x4096xf32, #tpu.memory_space<hbm>> -> memref<4096xf32, #tpu.memory_space<hbm>>
    %dma_wait3A_15 = arith.constant 0 : i32
    %dma_wait3A_16 = tpu.memref_slice %arg4[%mul3A_2, %dma_wait3A_15] : memref<832x16384xf32, #tpu.memory_space<hbm>> -> memref<1x4096xf32, #tpu.memory_space<hbm>>
    %dma_wait3A_17 = tpu.memref_squeeze %dma_wait3A_16 : memref<1x4096xf32, #tpu.memory_space<hbm>> -> memref<4096xf32, #tpu.memory_space<hbm>>
    %dma_wait3A_18 = arith.constant 0 : i32
    %dma_wait3A_19 = tpu.memref_slice %arg7[%dma_wait3A, %dma_wait3A_18] : memref<2x4096xf32, #tpu.memory_space<vmem>> -> memref<1x4096xf32, #tpu.memory_space<vmem>>
    %dma_wait3A_20 = tpu.memref_squeeze %dma_wait3A_19 : memref<1x4096xf32, #tpu.memory_space<vmem>> -> memref<4096xf32, #tpu.memory_space<vmem>>
    tpu.wait_dma2 semaphore(%arg8 : memref<!tpu.dma_semaphore, #tpu.memory_space<semaphore_mem>>) src(%dma_wait3A_20 : memref<4096xf32, #tpu.memory_space<vmem>>) dst(%dma_wait3A_17 : memref<4096xf32, #tpu.memory_space<hbm>>)
    %dma_wait3A_21 = arith.constant 0 : i32
    %dma_wait3A_22 = arith.constant 0 : i32
    %dma_wait3A_23 = tpu.memref_slice %arg7[%dma_wait3A_21, %dma_wait3A_22] : memref<2x4096xf32, #tpu.memory_space<vmem>> -> memref<1x4096xf32, #tpu.memory_space<vmem>>
    %dma_wait3A_24 = tpu.memref_squeeze %dma_wait3A_23 : memref<1x4096xf32, #tpu.memory_space<vmem>> -> memref<4096xf32, #tpu.memory_space<vmem>>
    %dma_wait3A_25 = arith.constant 0 : i32
    %dma_wait3A_26 = tpu.memref_slice %arg4[%mul3A_2, %dma_wait3A_25] : memref<832x16384xf32, #tpu.memory_space<hbm>> -> memref<1x4096xf32, #tpu.memory_space<hbm>>
    %dma_wait3A_27 = tpu.memref_squeeze %dma_wait3A_26 : memref<1x4096xf32, #tpu.memory_space<hbm>> -> memref<4096xf32, #tpu.memory_space<hbm>>
    %dma_wait3A_28 = arith.constant 0 : i32
    %dma_wait3A_29 = tpu.memref_slice %arg4[%mul3A_2, %dma_wait3A_28] : memref<832x16384xf32, #tpu.memory_space<hbm>> -> memref<1x4096xf32, #tpu.memory_space<hbm>>
    %dma_wait3A_30 = tpu.memref_squeeze %dma_wait3A_29 : memref<1x4096xf32, #tpu.memory_space<hbm>> -> memref<4096xf32, #tpu.memory_space<hbm>>
    %dma_wait3A_31 = arith.constant 0 : i32
    %dma_wait3A_32 = tpu.memref_slice %arg7[%dma_wait3A_21, %dma_wait3A_31] : memref<2x4096xf32, #tpu.memory_space<vmem>> -> memref<1x4096xf32, #tpu.memory_space<vmem>>
    %dma_wait3A_33 = tpu.memref_squeeze %dma_wait3A_32 : memref<1x4096xf32, #tpu.memory_space<vmem>> -> memref<4096xf32, #tpu.memory_space<vmem>>
    tpu.wait_dma2 semaphore(%arg8 : memref<!tpu.dma_semaphore, #tpu.memory_space<semaphore_mem>>) src(%dma_wait3A_33 : memref<4096xf32, #tpu.memory_space<vmem>>) dst(%dma_wait3A_30 : memref<4096xf32, #tpu.memory_space<hbm>>)
    return
  }
}

</mosaic_0001>

<sc_bundles>
// kernel: kernel.3.cloned.1.call-start
scs
__scs_entry_jumppad:
0x0: {  	(pc) =	sbr.rel $0x88, $3  }
0x1: {  	(tag) =	ssettag $0x0;
	lr =	simm.s32 $0x1  }
0x2: {  	[smem:$0x3F9F] =	sst lr;
	_ =	strace $0xD0000000  }
0x3: {  	_ = 	snop  }
0x4: {  	_ = 	snop  }
0x5: {  	_ = 	snop  }
0x6: {  	_ = 	snop  }
0x7: {  	_ = 	snop  }
__scs_overlays_trampoline_lowered:
0x8: {  	[smem:$0x3FAE] =	sst s0  }
0x9: {  	[smem:$0x3FAF] =	sst s1  }
0xa: {  	[smem:$0x3FB0] =	sst s2  }
0xb: {  	[smem:$0x3FB1] =	sst s3  }
0xc: {  	[smem:$0x3FB2] =	sst s4  }
0xd: {  	[smem:$0x3FB3] =	sst s5  }
0xe: {  	[smem:$0x3FB4] =	sst s6  }
0xf: {  	[smem:$0x3FB5] =	sst s7  }
0x10: {  	[smem:$0x3FB6] =	sst s8  }
0x11: {  	[smem:$0x3FB7] =	sst s9;
	s0 =	simm.s32 @!p0 $0x0  }
0x12: {  	s1 =	sld [smem:$0x3F9D];
	s0 =	simm.s32 @p0 $0x1  }
0x13: {  	[smem:$0x3FB8] =	sst s0;
	s0 =	simm.s32 @!p1 $0x0  }
0x14: {  	s2 =	sld [smem:$0x3F9C];
	s0 =	simm.s32 @p1 $0x1  }
0x15: {  	[smem:$0x3FB9] =	sst s0;
	s0 =	simm.s32 @!p2 $0x0  }
0x16: {  	s3 =	sld [smem:$0x3FDB];
	s0 =	simm.s32 @p2 $0x1  }
0x17: {  	s4 =	simm.s32 $0x1BF5;
	[smem:$0x3FBB] =	sst s0  }
0x18: {  	s0 =	sld [smem:$0x3F9E];
	_ =	swait.ge [sflag:s4], $0x0  }
0x19: {  	s7 =	sld [smem:$0x3F9F]  }
0x1a: {  	s8 =	sadd.s32 $0xFFFFE003, lr  }
0x1b: {  	s9 =	sadd.s32 $0xFFFFFEF7, lr;
	s5 =	simm.s32 $0xFFFFFFFF;
	p2 =	slt.u32 s8, $0xFFFFF086  }
0x1c: {  	p1 =	slt.u32 s9, $0xF7A;
	s5 =	simm.s32 @!p2 $0x0  }
0x1d: {  	s5 =	simm.s32 @p1 $0x1;
	p0 =	seq.s32 s7, s2  }
0x1e: {  	s7 =	smul.u32 @!p0 $0xF7A, s2;
	p2 =	seq.s32 @!p0 s5, $0x0  }
0x1f: {  	s9 =	smul.u32 $0xF7A, s1;
	s8 =	simm.s32 @!p0 $0x1BF5;
	p2 =	por !p2, p0  }
0x20: {  	[sflag:s8] =	ssyncset.s32 @!p0 $0xFFFFF086;
	s6 =	sadd.s32 @!p0 s3, s7;
	s7 =	simm.s32 @!p0 $0x108  }
0x21: {  	s3 =	sadd.s32 s3, s9;
	s6 =	sadd.s32 @!p0 $0x88, s6;
	s7 =	simm.s32 @p2 $0x1082  }
0x22: {  	[simem:s7], [sflag:s8] =	dma.local @!p0 [hbm:s6], $0xF7A  }
0x23: {  	s9 =	sor.u32 $0xD0000000, s2;
	s6 =	simm.s32 $0x108;
	_ =	swait.ge @!p0 [sflag:s8], $0x0  }
0x24: {  	s3 =	sadd.s32 $0x88, s3;
	s6 =	simm.s32 @!p1 $0x1082;
	[sflag:s4] =	ssyncset.s32 $0xFFFFF086  }
0x25: {  	[simem:s6], [sflag:s4] =	dma.local [hbm:s3], $0xF7A  }
0x26: {  	[smem:$0x3F9F] =	sst s1;
	(tag) =	ssettag s2;
	_ =	strace s9  }
0x27: {  	s1 =	sld [smem:$0x3FAF]  }
0x28: {  	s2 =	sld [smem:$0x3FB0]  }
0x29: {  	s4 =	sld [smem:$0x3FB2]  }
0x2a: {  	p0 =	seq.s32 s5, $0x0;
	s5 =	sld [smem:$0x3FB3]  }
0x2b: {  	s6 =	sld [smem:$0x3FB4]  }
0x2c: {  	s7 =	sld [smem:$0x3FB5]  }
0x2d: {  	s3 =	simm.s32 $0x108;
	s8 =	sld [smem:$0x3FB6]  }
0x2e: {  	s3 =	simm.s32 @!p0 $0x1082;
	s9 =	sld [smem:$0x3FB7]  }
0x2f: {  	lr =	sadd.s32 s0, s3;
	s0 =	sld [smem:$0x3FAE]  }
0x30: {  	s3 =	sld [smem:$0x3FB1]  }
0x31: {  	[smem:$0x3FBA] =	sst s10  }
0x32: {  	s10 =	sld [smem:$0x3FB8];
	_ =	sdelay $0x3  }
0x33: {  	p0 =	seq.s32 s10, $0x1;
	s10 =	sld [smem:$0x3FBA];
	_ =	sdelay $0x3  }
0x34: {  	[smem:$0x3FBA] =	sst s10  }
0x35: {  	s10 =	sld [smem:$0x3FB9];
	_ =	sdelay $0x3  }
0x36: {  	p1 =	seq.s32 s10, $0x1;
	s10 =	sld [smem:$0x3FBA];
	_ =	sdelay $0x3  }
0x37: {  	[smem:$0x3FBA] =	sst s10  }
0x38: {  	s10 =	sld [smem:$0x3FBB]  }
0x39: {  	_ = 	snop;
	(pc) =	sbr.ind lr, $3  }
0x3a: {  	_ = 	snop  }
0x3b: {  	_ = 	snop  }
0x3c: {  	p2 =	seq.s32 s10, $0x1;
	s10 =	sld [smem:$0x3FBA]  }
0x3d: {  	_ =	shalt  }
0x3e: {  	_ =	shalt  }
0x3f: {  	_ =	shalt  }
0x40: {  	_ =	shalt  }
0x41: {  	_ =	shalt  }
0x42: {  	_ =	shalt  }
0x43: {  	_ =	shalt  }
0x44: {  	_ =	shalt  }
0x45: {  	_ =	shalt  }
0x46: {  	_ =	shalt  }
0x47: {  	_ =	shalt  }
0x48: {  	_ =	shalt  }
0x49: {  	_ =	shalt  }
0x4a: {  	_ =	shalt  }
0x4b: {  	_ =	shalt  }
0x4c: {  	_ =	shalt  }
0x4d: {  	_ =	shalt  }
0x4e: {  	_ =	shalt  }
0x4f: {  	_ =	shalt  }
0x50: {  	_ =	shalt  }
0x51: {  	_ =	shalt  }
0x52: {  	_ =	shalt  }
0x53: {  	_ =	shalt  }
0x54: {  	_ =	shalt  }
0x55: {  	_ =	shalt  }
0x56: {  	_ =	shalt  }
0x57: {  	_ =	shalt  }
0x58: {  	_ =	shalt  }
0x59: {  	_ =	shalt  }
0x5a: {  	_ =	shalt  }
0x5b: {  	_ =	shalt  }
0x5c: {  	_ =	shalt  }
0x5d: {  	_ =	shalt  }
0x5e: {  	_ =	shalt  }
0x5f: {  	_ =	shalt  }
0x60: {  	_ =	shalt  }
0x61: {  	_ =	shalt  }
0x62: {  	_ =	shalt  }
0x63: {  	_ =	shalt  }
0x64: {  	_ =	shalt  }
0x65: {  	_ =	shalt  }
0x66: {  	_ =	shalt  }
0x67: {  	_ =	shalt  }
0x68: {  	_ =	shalt  }
0x69: {  	_ =	shalt  }
0x6a: {  	_ =	shalt  }
0x6b: {  	_ =	shalt  }
0x6c: {  	_ =	shalt  }
0x6d: {  	_ =	shalt  }
0x6e: {  	_ =	shalt  }
0x6f: {  	_ =	shalt  }
0x70: {  	_ =	shalt  }
0x71: {  	_ =	shalt  }
0x72: {  	_ =	shalt  }
0x73: {  	_ =	shalt  }
0x74: {  	_ =	shalt  }
0x75: {  	_ =	shalt  }
0x76: {  	_ =	shalt  }
0x77: {  	_ =	shalt  }
0x78: {  	_ =	shalt  }
0x79: {  	_ =	shalt  }
0x7a: {  	_ =	shalt  }
0x7b: {  	_ =	shalt  }
0x7c: {  	_ =	shalt  }
0x7d: {  	_ =	shalt  }
0x7e: {  	_ =	shalt  }
0x7f: {  	_ =	shalt  }
0x80: {  	_ =	shalt  }
0x81: {  	_ =	shalt  }
0x82: {  	_ =	shalt  }
0x83: {  	_ =	shalt  }
0x84: {  	_ =	shalt  }
0x85: {  	_ =	shalt  }
0x86: {  	_ =	shalt  }
0x87: {  	_ =	shalt  }
.Lfunc_end0:
.L_simem_size_0:
called_computation_lowered:
.L_overlay_start_0:
0x88: {  	s2 =	sld [smem:$0x3FD9]  }
0x89: {  	s3 =	sld [smem:$0x3FFE];
	_ =	sdelay $0x1  }
0x8a: {  	s1 =	srdreg.scid  }
0x8b: {  	s0 =	sand.u32 $0x1, s1  }
0x8c: {  	s18 =	sshll.u32 s0, $0xA;
	s2 =	sadd.s32 s3, s2  }
0x8d: {  	s2 =	sadd.s32 s2, s18  }
0x8e: {  	[smem:$0x3FC6] =	sst s2  }
0x8f: {  	_ = 	snop  }
0x90: {  	s2 =	sld [smem:$0x3FC9]  }
0x91: {  	s19 =	sld [smem:$0x3FC8]  }
0x92: {  	s4 =	sld [smem:$0x3FD0];
	(tm) =	ssettm $0x1  }
0x93: {  	s5 =	sld [smem:$0x3FFB];
	_ =	sdelay $0x3  }
0x94: {  	_ =	strace s5  }
0x95: {  	s5 =	sld [smem:$0x3FFC];
	_ =	sdelay $0x3  }
0x96: {  	_ =	strace s5  }
0x97: {  	s5 =	sld [smem:$0x3FFD];
	_ =	sdelay $0x3  }
0x98: {  	_ =	strace s5  }
0x99: {  	_ =	strace $0x8FFFFFFF  }
0x9a: {  	s20 =	sld [smem:$0x3FDB];
	_ =	sdelay $0x1  }
0x9b: {  	s6 =	simm.s32 $_scs_section_size  }
0x9c: {  	s7 =	simm.s32 $_size__tile_overlayer_lowered;
	s8 =	simm.s32 $_tile_overlayer_lowered  }
0x9d: {  	s23 =	simm.s32 $0x1BFF;
	s22 =	sshll.u32 s8, $0x1;
	s5 =	sadd.s32 s6, s20  }
0x9e: {  	s9 =	simm.s32 $0x0;
	s21 =	sshll.u32 s7, $0x1;
	s7 =	sadd.s32 s22, s5  }
0x9f: {  	[timem:s9], [sflag:s23] =	dma.local [hbm:s7], s21  }
0xa0: {  	_ =	swait.ge [sflag:s23], s21  }
0xa1: {  	s6 =	ssub.s32 $0x0, s21;
	[sflag:s23] =	ssyncset.done $0x0  }
0xa2: {  	[sflag:s23] =	ssyncadd.s32 s6;
	_ =	sdelay $0x1  }
0xa3: {  	s24 =	simm.s32 $0x1B8B  }
0xa4: {  	_ =	swait.ge [sflag:s24], $0x1  }
0xa5: {  	[sflag:s24] =	ssyncset.done $0x0  }
0xa6: {  	s25 =	simm.s32 $0x1B8E;
	[sflag:s24] =	ssyncadd.s32 $0xFFFFFFFF  }
0xa7: {  	s26 =	simm.s32 $execute0_lowered;
	[smem:$0x3FD2] =	sst s25  }
0xa8: {  	s6 =	sshll.u32 s26, $0x1;
	_ =	strace $0x80000046;
	[dreg:$0x1] =	wrdreg $0xFFFFFFFF  }
0xa9: {  	s28 =	simm.s32 $_size_execute0_lowered;
	s5 =	sadd.s32 s5, s6;
	[dreg:$0x0] =	wrdreg $0x0  }
0xaa: {  	s6 =	sshll.u32 s28, $0x1;
	[dreg:$0x2] =	wrdreg s5  }
0xab: {  	[dreg:$0x3] =	wrdreg s6  }
0xac: {  	[dreg:$0x4] =	wrdreg $0xC0  }
0xad: {  	_ =	task [dreg:s9], $0x5FFFF  }
0xae: {  	[dreg:$0x1] =	wrdreg $0xFFFFFFFF  }
0xaf: {  	[dreg:$0x0] =	wrdreg $0x60  }
0xb0: {  	[dreg:$0x2] =	wrdreg s2  }
0xb1: {  	[dreg:$0x3] =	wrdreg s19  }
0xb2: {  	[dreg:$0x4] =	wrdreg s4  }
0xb3: {  	[dreg:$0x5] =	wrdreg $0x9  }
0xb4: {  	_ =	task.clear_ibuf [dreg:s9], $0x6FFFF;
	_ =	strace $0x90000046  }
0xb5: {  	s29 =	simm.s32 $0x9;
	_ =	strace $0x80000048  }
0xb6: {  	_ =	swait.ge [sflag:s29], $0x1  }
0xb7: {  	[sflag:s29] =	ssyncadd.s32 $0xFFFFFFFF  }
0xb8: {  	_ =	strace $0x90000048  }
0xb9: {  	_ =	sfence  }
0xba: {  	s30 =	sld [smem:$0x0];
	_ =	sdelay $0x2  }
0xbb: {  	s31 =	sshll.u32 s1, $0xD;
	s1 =	sshrl.u32 s1, $0x2  }
0xbc: {  	s3 =	sand.u32 $0x4000, s31;
	s1 =	sadd.s32 s1, s30  }
0xbd: {  	s0 =	sor.u32 s3, s0;
	s1 =	sshll.u32 s1, $0x11  }
0xbe: {  	s0 =	sor.u32 s1, s0  }
0xbf: {  	s0 =	sadd.s32 $0x8F2B, s0  }
0xc0: {  	[sflag:s0] =	ssyncadd.remote.s32 $0x1  }
0xc1: {  	_ =	sfence.sel $0xFFFF  }
0xc2: {  	[dreg:$0x0] =	wrdreg $0xFFFFFFFF;
	(pc) =	sbr.abs _section_cstart, $3  }
0xc3: {  	[dreg:$0x1] =	wrdreg $0xFFFFFFFF  }
0xc4: {  	_ =	task.clear_ibuf [dreg:s9], $0x2FFFF;
	_ =	strace $0x9FFFFFFF  }
0xc5: {  	(tm) =	ssettm $0x7FFFFFFF  }
tec
execute0_lowered:
.L_overlay_start_1:
0x0: {  	(tag) =	ssettag $0x1  }
0x1: {  	s1 =	rddreg [dreg:$0x0]  }
0x2: {  	s3 =	rddreg [dreg:$0x1]  }
0x3: {  	s4 =	rddreg [dreg:$0x2];
	s5 =	srdreg.scid  }
0x4: {  	s0 =	rddreg [dreg:$0x3];
	s2 =	stileid.u32;
	s11 =	simm.s32 $0x80  }
0x5: {  	s12 =	simm.s32 $0x400;
	s13 =	simm.s32 $0x2;
	s14 =	simm.s32 $0x1  }
0x6: {  	s15 =	simm.s32 $0x0;
	s6 =	sand.u32 $0x1, s5;
	s5 =	simm.s32 $0x0  }
0x7: {  	s8 =	sshll.u32 s2, $0x1;
	s7 =	ssub.s32 $0x2, s6;
	[smem:$0x7FF] =	sst s5  }
0x8: {  	s6 =	sor.u32 s6, s8;
	s8 =	sadd.s32 $0x2000, s4;
	s9 =	sshrl.u32 s7, $0x1  }
0x9: {  	_ =	strace $0x80000047;
	s6 =	smul.u32 $0x1A, s6;
	s10 =	ssub.s32 s7, s9  }
0xa: {  	s7 =	sadd.s32 $0x1000, s4;
	s9 =	sadd.s32 $0x3000, s4;
	s10 =	smax.u32 s10, $0x1  }
.LBB2_1:
0xb: {  	s17 =	simm.s32 $0xFFFFFFFF;
	s16 =	simm.s32 $0x0  }
.LBB2_2:
0xc: {  	s19 =	sadd.s32 s6, s16  }
0xd: {  	s18 =	smov.u32 s17;
	s17 =	sshrl.u32 s19, $0x5  }
0xe: {  	p0 =	seq.s32 s17, s18  }
0xf: {  	s18 =	sshll.u32 @!p0 s17, $0x4  }
0x10: {  	s20 =	sshll.u32 @!p0 s17, $0xB;
	s18 =	sand.u32 @!p0 $0x70, s18  }
0x11: {  	s21 =	simm.s32 @!p0 $0x400;
	s20 =	sand.u32 @!p0 $0xFFFC000, s20;
	s18 =	sadd.s32 @!p0 s1, s18  }
0x12: {  	s22 =	simm.s32 @!p0 $0x18700;
	s18 =	sadd.s32 @!p0 s20, s18;
	s20 =	simm.s32 @!p0 $0x80  }
0x13: {  	[tilespmem:s22], [sflag:$0x2] =	stream.strided.gather @!p0 [hbm4b:s18+s20], $0x4000, s21, s20, $0x38;
	[tilespmem:$0x1E700] =	vst v63  }
0x14: {  	s18 =	sshrl.u32 s19, $0x3  }
0x15: {  	s19 =	sshll.u32 s19, $0x7;
	s30 =	smul.u32 $0xC3800, s18  }
0x16: {  	s21 =	simm.s32 @!p0 $0x2;
	s19 =	sand.u32 $0x380, s19  }
0x17: {  	_ =	swait.ge @!p0 [sflag:s21], $0x4000;
	s20 =	sor.u32 s19, s30  }
0x18: {  	[sflag:s21] =	ssyncset.done @!p0 $0x0;
	s20 =	sshrl.u32 s20, $0x3  }
0x19: {  	[sflag:s21] =	ssyncadd.s32 @!p0 $0xFFFFC000;
	s20 =	sadd.s32 s3, s20  }
0x1a: {  	[tilespmem:s5], [sflag:$0x2] =	stream.strided.gather [hbm4b:s20+s11], $0x18700, s12, s11, $0x38;
	[tilespmem:$0x1E700] =	vst v63  }
0x1b: {  	_ =	swait.ge [sflag:s13], $0x18700  }
0x1c: {  	p0 =	seq.s32 s16, $0x0;
	[sflag:s13] =	ssyncset.done $0x0  }
0x1d: {  	s20 =	simm.s32 @!p0 $0x1;
	[sflag:s13] =	ssyncadd.s32 $0xFFFE7900  }
0x1e: {  	_ =	swait.ge @!p0 [sflag:s20], $0x1000  }
0x1f: {  	[sflag:s20] =	ssyncset.done @!p0 $0x0  }
0x20: {  	s31 =	simm.s32 $0x18780;
	[sflag:s20] =	ssyncadd.s32 @!p0 $0xFFFFF000  }
0x21: {  	v0 =	vld [tilespmem:s31+$0x70]  }
0x22: {  	v1 =	vld [tilespmem:s31+$0xFFFFFF90]  }
0x23: {  	v2 =	vld [tilespmem:s31+$0xFFFFFFA0]  }
0x24: {  	v3 =	vld [tilespmem:s31+$0xFFFFFFB0]  }
0x25: {  	v4 =	vld [tilespmem:s31+$0xFFFFFFC0]  }
0x26: {  	v5 =	vld [tilespmem:s31+$0xFFFFFFD0]  }
0x27: {  	v6 =	vld [tilespmem:s31+$0xFFFFFFE0]  }
0x28: {  	v7 =	vld [tilespmem:s31+$0xFFFFFFF0]  }
0x29: {  	v8 =	vld [tilespmem:s31+$0x0]  }
0x2a: {  	v9 =	vld [tilespmem:s31+$0x10]  }
0x2b: {  	v10 =	vld [tilespmem:s31+$0x20]  }
0x2c: {  	v11 =	vld [tilespmem:s31+$0x30]  }
0x2d: {  	v12 =	vld [tilespmem:s31+$0x40]  }
0x2e: {  	v13 =	vld [tilespmem:s31+$0x50]  }
0x2f: {  	v14 =	vld [tilespmem:s31+$0x60]  }
0x30: {  	v15 =	vld [tilespmem:s31+$0xFFFFFF80]  }
0x31: {  	v0 =	vld.idx.msk [tilespmem:v0+s5+$0x0], $0xffff  }
0x32: {  	v1 =	vld.idx.msk [tilespmem:v1+s5+$0x0], $0xffff  }
0x33: {  	v2 =	vld.idx.msk [tilespmem:v2+s5+$0x0], $0xffff  }
0x34: {  	v3 =	vld.idx.msk [tilespmem:v3+s5+$0x0], $0xffff  }
0x35: {  	v4 =	vld.idx.msk [tilespmem:v4+s5+$0x0], $0xffff  }
0x36: {  	s20 =	simm.s32 $0x1C800;
	v5 =	vld.idx.msk [tilespmem:v5+s5+$0x0], $0xffff  }
0x37: {  	v6 =	vld.idx.msk [tilespmem:v6+s5+$0x0], $0xffff;
	[tilespmem:s20+$0x70] =	vst v0  }
0x38: {  	v7 =	vld.idx.msk [tilespmem:v7+s5+$0x0], $0xffff;
	[tilespmem:s20+$0xFFFFFF10] =	vst v1  }
0x39: {  	v15 =	vld.idx.msk [tilespmem:v15+s5+$0x0], $0xffff;
	[tilespmem:s20+$0xFFFFFF20] =	vst v2  }
0x3a: {  	v8 =	vld.idx.msk [tilespmem:v8+s5+$0x0], $0xffff;
	[tilespmem:s20+$0xFFFFFF30] =	vst v3  }
0x3b: {  	[tilespmem:s20+$0xFFFFFF40] =	vst v4;
	v0 =	vld.idx.msk [tilespmem:v9+s5+$0x0], $0xffff  }
0x3c: {  	[tilespmem:s20+$0xFFFFFF50] =	vst v5;
	v1 =	vld.idx.msk [tilespmem:v10+s5+$0x0], $0xffff  }
0x3d: {  	[tilespmem:s20+$0xFFFFFF60] =	vst v6;
	v2 =	vld.idx.msk [tilespmem:v11+s5+$0x0], $0xffff  }
0x3e: {  	[tilespmem:s20+$0xFFFFFF70] =	vst v7;
	v3 =	vld.idx.msk [tilespmem:v12+s5+$0x0], $0xffff  }
0x3f: {  	[tilespmem:s20+$0xFFFFFF00] =	vst v15;
	v4 =	vld.idx.msk [tilespmem:v13+s5+$0x0], $0xffff  }
0x40: {  	s22 =	simm.s32 $0x18880;
	s21 =	simm.s32 $0x0;
	[tilespmem:s20+$0x0] =	vst v8;
	v5 =	vld.idx.msk [tilespmem:v14+s5+$0x0], $0xffff  }
.LBB2_3:
0x41: {  	v6 =	vld [tilespmem:s22+$0x70];
	s21 =	sadd.s32 $0x10, s21;
	[tilespmem:s20+$0x10] =	vst v0  }
0x42: {  	v0 =	vld [tilespmem:s22+$0xFFFFFF90];
	p1 =	slt.u32 s21, $0xF0;
	[tilespmem:s20+$0x20] =	vst v1  }
0x43: {  	v1 =	vld [tilespmem:s22+$0xFFFFFFA0];
	[tilespmem:s20+$0x30] =	vst v2  }
0x44: {  	v2 =	vld [tilespmem:s22+$0xFFFFFFB0];
	[tilespmem:s20+$0x40] =	vst v3  }
0x45: {  	v3 =	vld [tilespmem:s22+$0xFFFFFFC0];
	[tilespmem:s20+$0x50] =	vst v4  }
0x46: {  	v4 =	vld [tilespmem:s22+$0xFFFFFFD0];
	[tilespmem:s20+$0x60] =	vst v5  }
0x47: {  	v5 =	vld [tilespmem:s22+$0xFFFFFFE0]  }
0x48: {  	v7 =	vld [tilespmem:s22+$0xFFFFFFF0]  }
0x49: {  	v6 =	vld.idx.msk [tilespmem:v6+s5+$0x0], $0xffff  }
0x4a: {  	v8 =	vld [tilespmem:s22+$0x0]  }
0x4b: {  	v9 =	vld [tilespmem:s22+$0x10]  }
0x4c: {  	v10 =	vld [tilespmem:s22+$0x20]  }
0x4d: {  	v11 =	vld [tilespmem:s22+$0x30]  }
0x4e: {  	s20 =	sadd.s32 $0x200, s20;
	v12 =	vld [tilespmem:s22+$0x40]  }
0x4f: {  	v13 =	vld [tilespmem:s22+$0x50];
	[tilespmem:s20+$0x70] =	vst v6  }
0x50: {  	v6 =	vld [tilespmem:s22+$0x60]  }
0x51: {  	v14 =	vld [tilespmem:s22+$0xFFFFFF80]  }
0x52: {  	v0 =	vld.idx.msk [tilespmem:v0+s5+$0x0], $0xffff  }
0x53: {  	v1 =	vld.idx.msk [tilespmem:v1+s5+$0x0], $0xffff  }
0x54: {  	v2 =	vld.idx.msk [tilespmem:v2+s5+$0x0], $0xffff  }
0x55: {  	v3 =	vld.idx.msk [tilespmem:v3+s5+$0x0], $0xffff  }
0x56: {  	v4 =	vld.idx.msk [tilespmem:v4+s5+$0x0], $0xffff  }
0x57: {  	v5 =	vld.idx.msk [tilespmem:v5+s5+$0x0], $0xffff  }
0x58: {  	[tilespmem:s20+$0xFFFFFF10] =	vst v0;
	v7 =	vld.idx.msk [tilespmem:v7+s5+$0x0], $0xffff  }
0x59: {  	v14 =	vld.idx.msk [tilespmem:v14+s5+$0x0], $0xffff;
	[tilespmem:s20+$0xFFFFFF20] =	vst v1  }
0x5a: {  	[tilespmem:s20+$0xFFFFFF30] =	vst v2;
	v8 =	vld.idx.msk [tilespmem:v8+s5+$0x0], $0xffff  }
0x5b: {  	[tilespmem:s20+$0xFFFFFF40] =	vst v3;
	v0 =	vld.idx.msk [tilespmem:v9+s5+$0x0], $0xffff  }
.Ltmp0:
0x5c: {  	[tilespmem:s20+$0xFFFFFF50] =	vst v4;
	v1 =	vld.idx.msk [tilespmem:v10+s5+$0x0], $0xffff;
	(pc) =	sbr.rel @p1 .LBB2_3-.Ltmp0, $4  }
0x5d: {  	[tilespmem:s20+$0xFFFFFF60] =	vst v5;
	v2 =	vld.idx.msk [tilespmem:v11+s5+$0x0], $0xffff  }
0x5e: {  	[tilespmem:s20+$0xFFFFFF70] =	vst v7;
	v3 =	vld.idx.msk [tilespmem:v12+s5+$0x0], $0xffff  }
0x5f: {  	[tilespmem:s20+$0xFFFFFF00] =	vst v14;
	v4 =	vld.idx.msk [tilespmem:v13+s5+$0x0], $0xffff  }
0x60: {  	s22 =	sadd.s32 $0x100, s22;
	[tilespmem:s20+$0x0] =	vst v8;
	v5 =	vld.idx.msk [tilespmem:v6+s5+$0x0], $0xffff  }
0x61: {  	[tilespmem:s20+$0x10] =	vst v0  }
0x62: {  	[tilespmem:s20+$0x20] =	vst v1;
	s18 =	sshll.u32 s18, $0x11  }
0x63: {  	[tilespmem:s20+$0x30] =	vst v2;
	s18 =	sor.u32 s19, s18  }
0x64: {  	[tilespmem:s20+$0x40] =	vst v3;
	s18 =	sshrl.u32 s18, $0x3  }
0x65: {  	s21 =	simm.s32 $0x1C700;
	[tilespmem:s20+$0x50] =	vst v4;
	s19 =	sadd.s32 s4, s18  }
0x66: {  	s22 =	simm.s32 $0x1C800;
	[tilespmem:s20+$0x60] =	vst v5;
	s20 =	simm.s32 $0x80;
	s23 =	sadd.s32 $0x0, s19  }
.LBB2_5:
0x67: {  	[hbm4b:s23+s5] =	stream.linear.scatter [tilespmem:s21], [sflag:$0x1], $0x80, $0x38;
	[tilespmem:$0x1E700] =	vst v63  }
0x68: {  	s23 =	smov.u32 s20;
	s21 =	smov.u32 s22;
	p1 =	sne.s32 s20, $0xF80  }
.Ltmp1:
0x69: {  	s20 =	sadd.s32 $0x80, s20;
	(pc) =	sbr.rel @p1 .LBB2_5-.Ltmp1, $2  }
0x6a: {  	_ =	sdelay $0x2  }
0x6b: {  	s22 =	sadd.s32 $0x100, s22;
	s23 =	sadd.s32 s23, s19  }
0x6c: {  	[hbm4b:s23+s5] =	stream.linear.scatter [tilespmem:s21], [sflag:$0x1], $0x80, $0x38;
	[tilespmem:$0x1E700] =	vst v63  }
0x6d: {  	s19 =	simm.s32 @!p0 $0x1  }
0x6e: {  	_ =	swait.ge @!p0 [sflag:s19], $0x1000  }
0x6f: {  	[sflag:s19] =	ssyncset.done @!p0 $0x0  }
0x70: {  	s31 =	simm.s32 $0x197F0;
	[sflag:s19] =	ssyncadd.s32 @!p0 $0xFFFFF000  }
0x71: {  	v0 =	vld [tilespmem:s31+$0x0]  }
0x72: {  	v1 =	vld [tilespmem:s31+$0xFFFFFF20]  }
0x73: {  	v2 =	vld [tilespmem:s31+$0xFFFFFF30]  }
0x74: {  	v3 =	vld [tilespmem:s31+$0xFFFFFF40]  }
0x75: {  	v4 =	vld [tilespmem:s31+$0xFFFFFF50]  }
0x76: {  	v5 =	vld [tilespmem:s31+$0xFFFFFF60]  }
0x77: {  	v6 =	vld [tilespmem:s31+$0xFFFFFF70]  }
0x78: {  	v7 =	vld [tilespmem:s31+$0xFFFFFF80]  }
0x79: {  	v8 =	vld [tilespmem:s31+$0xFFFFFF90]  }
0x7a: {  	v9 =	vld [tilespmem:s31+$0xFFFFFFA0]  }
0x7b: {  	v10 =	vld [tilespmem:s31+$0xFFFFFFB0]  }
0x7c: {  	v11 =	vld [tilespmem:s31+$0xFFFFFFC0]  }
0x7d: {  	v12 =	vld [tilespmem:s31+$0xFFFFFFD0]  }
0x7e: {  	v13 =	vld [tilespmem:s31+$0xFFFFFFE0]  }
0x7f: {  	v14 =	vld [tilespmem:s31+$0xFFFFFFF0]  }
0x80: {  	v15 =	vld [tilespmem:s31+$0xFFFFFF10]  }
0x81: {  	v0 =	vld.idx.msk [tilespmem:v0+s5+$0x0], $0xffff  }
0x82: {  	v1 =	vld.idx.msk [tilespmem:v1+s5+$0x0], $0xffff  }
0x83: {  	v2 =	vld.idx.msk [tilespmem:v2+s5+$0x0], $0xffff  }
0x84: {  	v3 =	vld.idx.msk [tilespmem:v3+s5+$0x0], $0xffff  }
0x85: {  	v4 =	vld.idx.msk [tilespmem:v4+s5+$0x0], $0xffff  }
0x86: {  	s19 =	simm.s32 $0x1C880;
	v5 =	vld.idx.msk [tilespmem:v5+s5+$0x0], $0xffff  }
0x87: {  	v6 =	vld.idx.msk [tilespmem:v6+s5+$0x0], $0xffff;
	[tilespmem:s19+$0x70] =	vst v0  }
0x88: {  	v7 =	vld.idx.msk [tilespmem:v7+s5+$0x0], $0xffff;
	[tilespmem:s19+$0xFFFFFF10] =	vst v1  }
0x89: {  	v15 =	vld.idx.msk [tilespmem:v15+s5+$0x0], $0xffff;
	[tilespmem:s19+$0xFFFFFF20] =	vst v2  }
0x8a: {  	v8 =	vld.idx.msk [tilespmem:v8+s5+$0x0], $0xffff;
	[tilespmem:s19+$0xFFFFFF30] =	vst v3  }
0x8b: {  	[tilespmem:s19+$0xFFFFFF40] =	vst v4;
	v0 =	vld.idx.msk [tilespmem:v9+s5+$0x0], $0xffff  }
0x8c: {  	[tilespmem:s19+$0xFFFFFF50] =	vst v5;
	v1 =	vld.idx.msk [tilespmem:v10+s5+$0x0], $0xffff  }
0x8d: {  	[tilespmem:s19+$0xFFFFFF60] =	vst v6;
	v2 =	vld.idx.msk [tilespmem:v11+s5+$0x0], $0xffff  }
0x8e: {  	[tilespmem:s19+$0xFFFFFF70] =	vst v7;
	v3 =	vld.idx.msk [tilespmem:v12+s5+$0x0], $0xffff  }
0x8f: {  	[tilespmem:s19+$0xFFFFFF00] =	vst v15;
	v4 =	vld.idx.msk [tilespmem:v13+s5+$0x0], $0xffff  }
0x90: {  	s20 =	simm.s32 $0x0;
	s21 =	simm.s32 $0x198F0;
	[tilespmem:s19+$0x0] =	vst v8;
	v5 =	vld.idx.msk [tilespmem:v14+s5+$0x0], $0xffff  }
.LBB2_7:
0x91: {  	v6 =	vld [tilespmem:s21+$0x0];
	s20 =	sadd.s32 $0x10, s20;
	[tilespmem:s19+$0x10] =	vst v0  }
0x92: {  	v0 =	vld [tilespmem:s21+$0xFFFFFF20];
	p0 =	slt.u32 s20, $0xF0;
	[tilespmem:s19+$0x20] =	vst v1  }
0x93: {  	v1 =	vld [tilespmem:s21+$0xFFFFFF30];
	[tilespmem:s19+$0x30] =	vst v2  }
0x94: {  	v2 =	vld [tilespmem:s21+$0xFFFFFF40];
	[tilespmem:s19+$0x40] =	vst v3  }
0x95: {  	v3 =	vld [tilespmem:s21+$0xFFFFFF50];
	[tilespmem:s19+$0x50] =	vst v4  }
0x96: {  	v4 =	vld [tilespmem:s21+$0xFFFFFF60];
	[tilespmem:s19+$0x60] =	vst v5  }
0x97: {  	v5 =	vld [tilespmem:s21+$0xFFFFFF70]  }
0x98: {  	v7 =	vld [tilespmem:s21+$0xFFFFFF80]  }
0x99: {  	v6 =	vld.idx.msk [tilespmem:v6+s5+$0x0], $0xffff  }
0x9a: {  	v8 =	vld [tilespmem:s21+$0xFFFFFF90]  }
0x9b: {  	v9 =	vld [tilespmem:s21+$0xFFFFFFA0]  }
0x9c: {  	v10 =	vld [tilespmem:s21+$0xFFFFFFB0]  }
0x9d: {  	v11 =	vld [tilespmem:s21+$0xFFFFFFC0]  }
0x9e: {  	s19 =	sadd.s32 $0x200, s19;
	v12 =	vld [tilespmem:s21+$0xFFFFFFD0]  }
0x9f: {  	v13 =	vld [tilespmem:s21+$0xFFFFFFE0];
	[tilespmem:s19+$0x70] =	vst v6  }
0xa0: {  	v6 =	vld [tilespmem:s21+$0xFFFFFFF0]  }
0xa1: {  	v14 =	vld [tilespmem:s21+$0xFFFFFF10]  }
0xa2: {  	v0 =	vld.idx.msk [tilespmem:v0+s5+$0x0], $0xffff  }
0xa3: {  	v1 =	vld.idx.msk [tilespmem:v1+s5+$0x0], $0xffff  }
0xa4: {  	v2 =	vld.idx.msk [tilespmem:v2+s5+$0x0], $0xffff  }
0xa5: {  	v3 =	vld.idx.msk [tilespmem:v3+s5+$0x0], $0xffff  }
0xa6: {  	v4 =	vld.idx.msk [tilespmem:v4+s5+$0x0], $0xffff  }
0xa7: {  	v5 =	vld.idx.msk [tilespmem:v5+s5+$0x0], $0xffff  }
0xa8: {  	[tilespmem:s19+$0xFFFFFF10] =	vst v0;
	v7 =	vld.idx.msk [tilespmem:v7+s5+$0x0], $0xffff  }
0xa9: {  	v14 =	vld.idx.msk [tilespmem:v14+s5+$0x0], $0xffff;
	[tilespmem:s19+$0xFFFFFF20] =	vst v1  }
0xaa: {  	[tilespmem:s19+$0xFFFFFF30] =	vst v2;
	v8 =	vld.idx.msk [tilespmem:v8+s5+$0x0], $0xffff  }
0xab: {  	[tilespmem:s19+$0xFFFFFF40] =	vst v3;
	v0 =	vld.idx.msk [tilespmem:v9+s5+$0x0], $0xffff  }
.Ltmp2:
0xac: {  	[tilespmem:s19+$0xFFFFFF50] =	vst v4;
	v1 =	vld.idx.msk [tilespmem:v10+s5+$0x0], $0xffff;
	(pc) =	sbr.rel @p0 .LBB2_7-.Ltmp2, $4  }
0xad: {  	[tilespmem:s19+$0xFFFFFF60] =	vst v5;
	v2 =	vld.idx.msk [tilespmem:v11+s5+$0x0], $0xffff  }
0xae: {  	[tilespmem:s19+$0xFFFFFF70] =	vst v7;
	v3 =	vld.idx.msk [tilespmem:v12+s5+$0x0], $0xffff  }
0xaf: {  	[tilespmem:s19+$0xFFFFFF00] =	vst v14;
	v4 =	vld.idx.msk [tilespmem:v13+s5+$0x0], $0xffff  }
0xb0: {  	s21 =	sadd.s32 $0x100, s21;
	[tilespmem:s19+$0x0] =	vst v8;
	v5 =	vld.idx.msk [tilespmem:v6+s5+$0x0], $0xffff  }
0xb1: {  	[tilespmem:s19+$0x10] =	vst v0  }
0xb2: {  	[tilespmem:s19+$0x20] =	vst v1  }
0xb3: {  	[tilespmem:s19+$0x30] =	vst v2  }
0xb4: {  	[tilespmem:s19+$0x40] =	vst v3  }
0xb5: {  	s20 =	sadd.s32 s18, s7;
	s21 =	simm.s32 $0x1C780;
	[tilespmem:s19+$0x50] =	vst v4  }
0xb6: {  	s22 =	simm.s32 $0x1C880;
	s23 =	sadd.s32 $0x0, s20;
	[tilespmem:s19+$0x60] =	vst v5;
	s19 =	simm.s32 $0x80  }
.LBB2_9:
0xb7: {  	[hbm4b:s23+s5] =	stream.linear.scatter [tilespmem:s21], [sflag:$0x1], $0x80, $0x38;
	[tilespmem:$0x1E700] =	vst v63  }
0xb8: {  	s23 =	smov.u32 s19;
	s21 =	smov.u32 s22;
	p0 =	sne.s32 s19, $0xF80  }
.Ltmp3:
0xb9: {  	s19 =	sadd.s32 $0x80, s19;
	(pc) =	sbr.rel @p0 .LBB2_9-.Ltmp3, $2  }
0xba: {  	_ =	sdelay $0x2  }
0xbb: {  	s22 =	sadd.s32 $0x100, s22;
	s23 =	sadd.s32 s23, s20  }
0xbc: {  	[hbm4b:s23+s5] =	stream.linear.scatter [tilespmem:s21], [sflag:$0x1], $0x80, $0x38;
	[tilespmem:$0x1E700] =	vst v63  }
0xbd: {  	_ =	swait.ge [sflag:s14], $0x1000  }
0xbe: {  	[sflag:s14] =	ssyncset.done $0x0  }
0xbf: {  	s19 =	simm.s32 $0x1A7F0;
	[sflag:s14] =	ssyncadd.s32 $0xFFFFF000  }
0xc0: {  	v0 =	vld [tilespmem:s19+$0x0]  }
0xc1: {  	v1 =	vld [tilespmem:s19+$0xFFFFFF20]  }
0xc2: {  	v2 =	vld [tilespmem:s19+$0xFFFFFF30]  }
0xc3: {  	v3 =	vld [tilespmem:s19+$0xFFFFFF40]  }
0xc4: {  	v4 =	vld [tilespmem:s19+$0xFFFFFF50]  }
0xc5: {  	v5 =	vld [tilespmem:s19+$0xFFFFFF60]  }
0xc6: {  	v6 =	vld [tilespmem:s19+$0xFFFFFF70]  }
0xc7: {  	v7 =	vld [tilespmem:s19+$0xFFFFFF80]  }
0xc8: {  	v8 =	vld [tilespmem:s19+$0xFFFFFF90]  }
0xc9: {  	v9 =	vld [tilespmem:s19+$0xFFFFFFA0]  }
0xca: {  	v10 =	vld [tilespmem:s19+$0xFFFFFFB0]  }
0xcb: {  	v11 =	vld [tilespmem:s19+$0xFFFFFFC0]  }
0xcc: {  	v12 =	vld [tilespmem:s19+$0xFFFFFFD0]  }
0xcd: {  	v13 =	vld [tilespmem:s19+$0xFFFFFFE0]  }
0xce: {  	v14 =	vld [tilespmem:s19+$0xFFFFFFF0]  }
0xcf: {  	v15 =	vld [tilespmem:s19+$0xFFFFFF10]  }
0xd0: {  	v0 =	vld.idx.msk [tilespmem:v0+s5+$0x0], $0xffff  }
0xd1: {  	v1 =	vld.idx.msk [tilespmem:v1+s5+$0x0], $0xffff  }
0xd2: {  	v2 =	vld.idx.msk [tilespmem:v2+s5+$0x0], $0xffff  }
0xd3: {  	v3 =	vld.idx.msk [tilespmem:v3+s5+$0x0], $0xffff  }
0xd4: {  	v4 =	vld.idx.msk [tilespmem:v4+s5+$0x0], $0xffff  }
0xd5: {  	s19 =	simm.s32 $0x1C800;
	v5 =	vld.idx.msk [tilespmem:v5+s5+$0x0], $0xffff  }
0xd6: {  	v6 =	vld.idx.msk [tilespmem:v6+s5+$0x0], $0xffff;
	[tilespmem:s19+$0x70] =	vst v0  }
0xd7: {  	v7 =	vld.idx.msk [tilespmem:v7+s5+$0x0], $0xffff;
	[tilespmem:s19+$0xFFFFFF10] =	vst v1  }
0xd8: {  	v15 =	vld.idx.msk [tilespmem:v15+s5+$0x0], $0xffff;
	[tilespmem:s19+$0xFFFFFF20] =	vst v2  }
0xd9: {  	v8 =	vld.idx.msk [tilespmem:v8+s5+$0x0], $0xffff;
	[tilespmem:s19+$0xFFFFFF30] =	vst v3  }
0xda: {  	[tilespmem:s19+$0xFFFFFF40] =	vst v4;
	v0 =	vld.idx.msk [tilespmem:v9+s5+$0x0], $0xffff  }
0xdb: {  	[tilespmem:s19+$0xFFFFFF50] =	vst v5;
	v1 =	vld.idx.msk [tilespmem:v10+s5+$0x0], $0xffff  }
0xdc: {  	[tilespmem:s19+$0xFFFFFF60] =	vst v6;
	v2 =	vld.idx.msk [tilespmem:v11+s5+$0x0], $0xffff  }
0xdd: {  	[tilespmem:s19+$0xFFFFFF70] =	vst v7;
	v3 =	vld.idx.msk [tilespmem:v12+s5+$0x0], $0xffff  }
0xde: {  	[tilespmem:s19+$0xFFFFFF00] =	vst v15;
	v4 =	vld.idx.msk [tilespmem:v13+s5+$0x0], $0xffff  }
0xdf: {  	s20 =	simm.s32 $0x0;
	s21 =	simm.s32 $0x1A8F0;
	[tilespmem:s19+$0x0] =	vst v8;
	v5 =	vld.idx.msk [tilespmem:v14+s5+$0x0], $0xffff  }
.LBB2_11:
0xe0: {  	v6 =	vld [tilespmem:s21+$0x0];
	s20 =	sadd.s32 $0x10, s20;
	[tilespmem:s19+$0x10] =	vst v0  }
0xe1: {  	v0 =	vld [tilespmem:s21+$0xFFFFFF20];
	p0 =	slt.u32 s20, $0xF0;
	[tilespmem:s19+$0x20] =	vst v1  }
0xe2: {  	v1 =	vld [tilespmem:s21+$0xFFFFFF30];
	[tilespmem:s19+$0x30] =	vst v2  }
0xe3: {  	v2 =	vld [tilespmem:s21+$0xFFFFFF40];
	[tilespmem:s19+$0x40] =	vst v3  }
0xe4: {  	v3 =	vld [tilespmem:s21+$0xFFFFFF50];
	[tilespmem:s19+$0x50] =	vst v4  }
0xe5: {  	v4 =	vld [tilespmem:s21+$0xFFFFFF60];
	[tilespmem:s19+$0x60] =	vst v5  }
0xe6: {  	v5 =	vld [tilespmem:s21+$0xFFFFFF70]  }
0xe7: {  	v7 =	vld [tilespmem:s21+$0xFFFFFF80]  }
0xe8: {  	v6 =	vld.idx.msk [tilespmem:v6+s5+$0x0], $0xffff  }
0xe9: {  	v8 =	vld [tilespmem:s21+$0xFFFFFF90]  }
0xea: {  	v9 =	vld [tilespmem:s21+$0xFFFFFFA0]  }
0xeb: {  	v10 =	vld [tilespmem:s21+$0xFFFFFFB0]  }
0xec: {  	v11 =	vld [tilespmem:s21+$0xFFFFFFC0]  }
0xed: {  	s19 =	sadd.s32 $0x200, s19;
	v12 =	vld [tilespmem:s21+$0xFFFFFFD0]  }
0xee: {  	v13 =	vld [tilespmem:s21+$0xFFFFFFE0];
	[tilespmem:s19+$0x70] =	vst v6  }
0xef: {  	v6 =	vld [tilespmem:s21+$0xFFFFFFF0]  }
0xf0: {  	v14 =	vld [tilespmem:s21+$0xFFFFFF10]  }
0xf1: {  	v0 =	vld.idx.msk [tilespmem:v0+s5+$0x0], $0xffff  }
0xf2: {  	v1 =	vld.idx.msk [tilespmem:v1+s5+$0x0], $0xffff  }
0xf3: {  	v2 =	vld.idx.msk [tilespmem:v2+s5+$0x0], $0xffff  }
0xf4: {  	v3 =	vld.idx.msk [tilespmem:v3+s5+$0x0], $0xffff  }
0xf5: {  	v4 =	vld.idx.msk [tilespmem:v4+s5+$0x0], $0xffff  }
0xf6: {  	v5 =	vld.idx.msk [tilespmem:v5+s5+$0x0], $0xffff  }
0xf7: {  	[tilespmem:s19+$0xFFFFFF10] =	vst v0;
	v7 =	vld.idx.msk [tilespmem:v7+s5+$0x0], $0xffff  }
0xf8: {  	v14 =	vld.idx.msk [tilespmem:v14+s5+$0x0], $0xffff;
	[tilespmem:s19+$0xFFFFFF20] =	vst v1  }
0xf9: {  	[tilespmem:s19+$0xFFFFFF30] =	vst v2;
	v8 =	vld.idx.msk [tilespmem:v8+s5+$0x0], $0xffff  }
0xfa: {  	[tilespmem:s19+$0xFFFFFF40] =	vst v3;
	v0 =	vld.idx.msk [tilespmem:v9+s5+$0x0], $0xffff  }
.Ltmp4:
0xfb: {  	[tilespmem:s19+$0xFFFFFF50] =	vst v4;
	v1 =	vld.idx.msk [tilespmem:v10+s5+$0x0], $0xffff;
	(pc) =	sbr.rel @p0 .LBB2_11-.Ltmp4, $4  }
0xfc: {  	[tilespmem:s19+$0xFFFFFF60] =	vst v5;
	v2 =	vld.idx.msk [tilespmem:v11+s5+$0x0], $0xffff  }
0xfd: {  	[tilespmem:s19+$0xFFFFFF70] =	vst v7;
	v3 =	vld.idx.msk [tilespmem:v12+s5+$0x0], $0xffff  }
0xfe: {  	[tilespmem:s19+$0xFFFFFF00] =	vst v14;
	v4 =	vld.idx.msk [tilespmem:v13+s5+$0x0], $0xffff  }
0xff: {  	s21 =	sadd.s32 $0x100, s21;
	[tilespmem:s19+$0x0] =	vst v8;
	v5 =	vld.idx.msk [tilespmem:v6+s5+$0x0], $0xffff  }
0x100: {  	[tilespmem:s19+$0x10] =	vst v0  }
0x101: {  	[tilespmem:s19+$0x20] =	vst v1  }
0x102: {  	[tilespmem:s19+$0x30] =	vst v2  }
0x103: {  	[tilespmem:s19+$0x40] =	vst v3  }
0x104: {  	s20 =	sadd.s32 s18, s8;
	s21 =	simm.s32 $0x1C700;
	[tilespmem:s19+$0x50] =	vst v4  }
0x105: {  	s22 =	simm.s32 $0x1C800;
	s23 =	sadd.s32 $0x0, s20;
	[tilespmem:s19+$0x60] =	vst v5;
	s19 =	simm.s32 $0x80  }
.LBB2_13:
0x106: {  	[hbm4b:s23+s5] =	stream.linear.scatter [tilespmem:s21], [sflag:$0x1], $0x80, $0x38;
	[tilespmem:$0x1E700] =	vst v63  }
0x107: {  	s23 =	smov.u32 s19;
	s21 =	smov.u32 s22;
	p0 =	sne.s32 s19, $0xF80  }
.Ltmp5:
0x108: {  	s19 =	sadd.s32 $0x80, s19;
	(pc) =	sbr.rel @p0 .LBB2_13-.Ltmp5, $2  }
0x109: {  	_ =	sdelay $0x2  }
0x10a: {  	s22 =	sadd.s32 $0x100, s22;
	s23 =	sadd.s32 s23, s20  }
0x10b: {  	[hbm4b:s23+s5] =	stream.linear.scatter [tilespmem:s21], [sflag:$0x1], $0x80, $0x38;
	[tilespmem:$0x1E700] =	vst v63  }
0x10c: {  	_ =	swait.ge [sflag:s14], $0x1000  }
0x10d: {  	[sflag:s14] =	ssyncset.done $0x0  }
0x10e: {  	s19 =	simm.s32 $0x1B7F0;
	[sflag:s14] =	ssyncadd.s32 $0xFFFFF000  }
0x10f: {  	v0 =	vld [tilespmem:s19+$0x0]  }
0x110: {  	v1 =	vld [tilespmem:s19+$0xFFFFFF20]  }
0x111: {  	v2 =	vld [tilespmem:s19+$0xFFFFFF30]  }
0x112: {  	v3 =	vld [tilespmem:s19+$0xFFFFFF40]  }
0x113: {  	v4 =	vld [tilespmem:s19+$0xFFFFFF50]  }
0x114: {  	v5 =	vld [tilespmem:s19+$0xFFFFFF60]  }
0x115: {  	v6 =	vld [tilespmem:s19+$0xFFFFFF70]  }
0x116: {  	v7 =	vld [tilespmem:s19+$0xFFFFFF80]  }
0x117: {  	v8 =	vld [tilespmem:s19+$0xFFFFFF90]  }
0x118: {  	v9 =	vld [tilespmem:s19+$0xFFFFFFA0]  }
0x119: {  	v10 =	vld [tilespmem:s19+$0xFFFFFFB0]  }
0x11a: {  	v11 =	vld [tilespmem:s19+$0xFFFFFFC0]  }
0x11b: {  	v12 =	vld [tilespmem:s19+$0xFFFFFFD0]  }
0x11c: {  	v13 =	vld [tilespmem:s19+$0xFFFFFFE0]  }
0x11d: {  	v14 =	vld [tilespmem:s19+$0xFFFFFFF0]  }
0x11e: {  	v15 =	vld [tilespmem:s19+$0xFFFFFF10]  }
0x11f: {  	v0 =	vld.idx.msk [tilespmem:v0+s5+$0x0], $0xffff  }
0x120: {  	v1 =	vld.idx.msk [tilespmem:v1+s5+$0x0], $0xffff  }
0x121: {  	v2 =	vld.idx.msk [tilespmem:v2+s5+$0x0], $0xffff  }
0x122: {  	v3 =	vld.idx.msk [tilespmem:v3+s5+$0x0], $0xffff  }
0x123: {  	v4 =	vld.idx.msk [tilespmem:v4+s5+$0x0], $0xffff  }
0x124: {  	s19 =	simm.s32 $0x1C880;
	v5 =	vld.idx.msk [tilespmem:v5+s5+$0x0], $0xffff  }
0x125: {  	v6 =	vld.idx.msk [tilespmem:v6+s5+$0x0], $0xffff;
	[tilespmem:s19+$0x70] =	vst v0  }
0x126: {  	v7 =	vld.idx.msk [tilespmem:v7+s5+$0x0], $0xffff;
	[tilespmem:s19+$0xFFFFFF10] =	vst v1  }
0x127: {  	v15 =	vld.idx.msk [tilespmem:v15+s5+$0x0], $0xffff;
	[tilespmem:s19+$0xFFFFFF20] =	vst v2  }
0x128: {  	v8 =	vld.idx.msk [tilespmem:v8+s5+$0x0], $0xffff;
	[tilespmem:s19+$0xFFFFFF30] =	vst v3  }
0x129: {  	[tilespmem:s19+$0xFFFFFF40] =	vst v4;
	v0 =	vld.idx.msk [tilespmem:v9+s5+$0x0], $0xffff  }
0x12a: {  	[tilespmem:s19+$0xFFFFFF50] =	vst v5;
	v1 =	vld.idx.msk [tilespmem:v10+s5+$0x0], $0xffff  }
0x12b: {  	[tilespmem:s19+$0xFFFFFF60] =	vst v6;
	v2 =	vld.idx.msk [tilespmem:v11+s5+$0x0], $0xffff  }
0x12c: {  	[tilespmem:s19+$0xFFFFFF70] =	vst v7;
	v3 =	vld.idx.msk [tilespmem:v12+s5+$0x0], $0xffff  }
0x12d: {  	[tilespmem:s19+$0xFFFFFF00] =	vst v15;
	v4 =	vld.idx.msk [tilespmem:v13+s5+$0x0], $0xffff  }
0x12e: {  	s20 =	simm.s32 $0x0;
	s21 =	simm.s32 $0x1B8F0;
	[tilespmem:s19+$0x0] =	vst v8;
	v5 =	vld.idx.msk [tilespmem:v14+s5+$0x0], $0xffff  }
.LBB2_15:
0x12f: {  	v6 =	vld [tilespmem:s21+$0x0];
	s20 =	sadd.s32 $0x10, s20;
	[tilespmem:s19+$0x10] =	vst v0  }
0x130: {  	v0 =	vld [tilespmem:s21+$0xFFFFFF20];
	p0 =	slt.u32 s20, $0xF0;
	[tilespmem:s19+$0x20] =	vst v1  }
0x131: {  	v1 =	vld [tilespmem:s21+$0xFFFFFF30];
	[tilespmem:s19+$0x30] =	vst v2  }
0x132: {  	v2 =	vld [tilespmem:s21+$0xFFFFFF40];
	[tilespmem:s19+$0x40] =	vst v3  }
0x133: {  	v3 =	vld [tilespmem:s21+$0xFFFFFF50];
	[tilespmem:s19+$0x50] =	vst v4  }
0x134: {  	v4 =	vld [tilespmem:s21+$0xFFFFFF60];
	[tilespmem:s19+$0x60] =	vst v5  }
0x135: {  	v5 =	vld [tilespmem:s21+$0xFFFFFF70]  }
0x136: {  	v7 =	vld [tilespmem:s21+$0xFFFFFF80]  }
0x137: {  	v6 =	vld.idx.msk [tilespmem:v6+s5+$0x0], $0xffff  }
0x138: {  	v8 =	vld [tilespmem:s21+$0xFFFFFF90]  }
0x139: {  	v9 =	vld [tilespmem:s21+$0xFFFFFFA0]  }
0x13a: {  	v10 =	vld [tilespmem:s21+$0xFFFFFFB0]  }
0x13b: {  	v11 =	vld [tilespmem:s21+$0xFFFFFFC0]  }
0x13c: {  	s19 =	sadd.s32 $0x200, s19;
	v12 =	vld [tilespmem:s21+$0xFFFFFFD0]  }
0x13d: {  	v13 =	vld [tilespmem:s21+$0xFFFFFFE0];
	[tilespmem:s19+$0x70] =	vst v6  }
0x13e: {  	v6 =	vld [tilespmem:s21+$0xFFFFFFF0]  }
0x13f: {  	v14 =	vld [tilespmem:s21+$0xFFFFFF10]  }
0x140: {  	v0 =	vld.idx.msk [tilespmem:v0+s5+$0x0], $0xffff  }
0x141: {  	v1 =	vld.idx.msk [tilespmem:v1+s5+$0x0], $0xffff  }
0x142: {  	v2 =	vld.idx.msk [tilespmem:v2+s5+$0x0], $0xffff  }
0x143: {  	v3 =	vld.idx.msk [tilespmem:v3+s5+$0x0], $0xffff  }
0x144: {  	v4 =	vld.idx.msk [tilespmem:v4+s5+$0x0], $0xffff  }
0x145: {  	v5 =	vld.idx.msk [tilespmem:v5+s5+$0x0], $0xffff  }
0x146: {  	[tilespmem:s19+$0xFFFFFF10] =	vst v0;
	v7 =	vld.idx.msk [tilespmem:v7+s5+$0x0], $0xffff  }
0x147: {  	v14 =	vld.idx.msk [tilespmem:v14+s5+$0x0], $0xffff;
	[tilespmem:s19+$0xFFFFFF20] =	vst v1  }
0x148: {  	[tilespmem:s19+$0xFFFFFF30] =	vst v2;
	v8 =	vld.idx.msk [tilespmem:v8+s5+$0x0], $0xffff  }
0x149: {  	[tilespmem:s19+$0xFFFFFF40] =	vst v3;
	v0 =	vld.idx.msk [tilespmem:v9+s5+$0x0], $0xffff  }
.Ltmp6:
0x14a: {  	[tilespmem:s19+$0xFFFFFF50] =	vst v4;
	v1 =	vld.idx.msk [tilespmem:v10+s5+$0x0], $0xffff;
	(pc) =	sbr.rel @p0 .LBB2_15-.Ltmp6, $4  }
0x14b: {  	[tilespmem:s19+$0xFFFFFF60] =	vst v5;
	v2 =	vld.idx.msk [tilespmem:v11+s5+$0x0], $0xffff  }
0x14c: {  	[tilespmem:s19+$0xFFFFFF70] =	vst v7;
	v3 =	vld.idx.msk [tilespmem:v12+s5+$0x0], $0xffff  }
0x14d: {  	[tilespmem:s19+$0xFFFFFF00] =	vst v14;
	v4 =	vld.idx.msk [tilespmem:v13+s5+$0x0], $0xffff  }
0x14e: {  	s21 =	sadd.s32 $0x100, s21;
	[tilespmem:s19+$0x0] =	vst v8;
	v5 =	vld.idx.msk [tilespmem:v6+s5+$0x0], $0xffff  }
0x14f: {  	[tilespmem:s19+$0x10] =	vst v0  }
0x150: {  	[tilespmem:s19+$0x20] =	vst v1  }
0x151: {  	[tilespmem:s19+$0x30] =	vst v2  }
0x152: {  	[tilespmem:s19+$0x40] =	vst v3  }
0x153: {  	s18 =	sadd.s32 s18, s9;
	s20 =	simm.s32 $0x1C780;
	[tilespmem:s19+$0x50] =	vst v4  }
0x154: {  	s21 =	simm.s32 $0x1C880;
	s22 =	sadd.s32 $0x0, s18;
	[tilespmem:s19+$0x60] =	vst v5;
	s19 =	simm.s32 $0x80  }
.LBB2_17:
0x155: {  	[hbm4b:s22+s5] =	stream.linear.scatter [tilespmem:s20], [sflag:$0x1], $0x80, $0x38;
	[tilespmem:$0x1E700] =	vst v63  }
0x156: {  	s22 =	smov.u32 s19;
	s20 =	smov.u32 s21;
	p0 =	sne.s32 s19, $0xF80  }
.Ltmp7:
0x157: {  	s19 =	sadd.s32 $0x80, s19;
	(pc) =	sbr.rel @p0 .LBB2_17-.Ltmp7, $2  }
0x158: {  	_ =	sdelay $0x2  }
0x159: {  	s21 =	sadd.s32 $0x100, s21;
	s22 =	sadd.s32 s22, s18  }
0x15a: {  	s16 =	sadd.s32 $0x1, s16  }
0x15b: {  	p0 =	sne.s32 s16, $0x1A  }
.Ltmp8:
0x15c: {  	_ = 	snop;
	(pc) =	sbr.rel @p0 .LBB2_2-.Ltmp8, $2  }
0x15d: {  	_ =	sdelay $0x2  }
0x15e: {  	[hbm4b:s22+s5] =	stream.linear.scatter [tilespmem:s20], [sflag:$0x1], $0x80, $0x38;
	[tilespmem:$0x1E700] =	vst v63  }
0x15f: {  	s15 =	sadd.s32 $0x1, s15  }
0x160: {  	_ =	swait.ge [sflag:s14], $0x1000;
	p0 =	sne.s32 s15, s10  }
.Ltmp9:
0x161: {  	[sflag:s14] =	ssyncset.done $0x0;
	(pc) =	sbr.rel @p0 .LBB2_1-.Ltmp9, $4  }
0x162: {  	[sflag:s14] =	ssyncadd.s32 $0xFFFFF000  }
0x163: {  	_ =	swait.ge [sflag:s14], $0x1000  }
0x164: {  	[sflag:s14] =	ssyncset.done $0x0  }
0x165: {  	[sflag:s14] =	ssyncadd.s32 $0xFFFFF000  }
0x166: {  	_ =	sfence.sel $0x180000  }
0x167: {  	[bflag:$0x0] =	sbarrier.arrive $0xFFFF  }
0x168: {  	p0 =	sne.s32 s2, $0x0;
	_ =	strace $0x90000047  }
0x169: {  	s0 =	sadd.s32 @!p0 $0x100000, s0;
	[bflag:$0x2] =	sbarrier.arrive $0xFFFF  }
0x16a: {  	[sflag:s0] =	ssyncadd.tile.s32 @!p0 $0x1;
	_ =	shalt  }
.Lfunc_end2:
_tile_overlayer_lowered:
.L_overlay_start_2:
0x16b: {  	(tag) =	ssettag $0x2  }
0x16c: {  	s0 =	rddreg [dreg:$0x0];
	s2 =	stileid.u32  }
0x16d: {  	s1 =	rddreg [dreg:$0x1];
	p0 =	sne.s32 s2, $0x0  }
0x16e: {  	s3 =	rddreg [dreg:$0x2];
	[bflag:$0x3] =	sbarrier.arrive $0xFFFF;
	s2 =	simm.s32 @!p0 $0x1C02  }
0x16f: {  	[timem:s3], [sflag:s2] =	dma.local @!p0 [hbm:s0], s1  }
0x170: {  	s0 =	simm.s32 @!p0 $0x2  }
0x171: {  	_ =	swait.ge @!p0 [sflag:s0], s1  }
0x172: {  	s1 =	ssub.s32 @!p0 $0x0, s1;
	[sflag:s0] =	ssyncset.done @!p0 $0x0  }
0x173: {  	[sflag:s0] =	ssyncadd.s32 @!p0 s1  }
0x174: {  	[bflag:$0x3] =	sbarrier.arrive $0xFFFF  }
0x175: {  	_ =	shalt  }

</sc_bundles>
